<compile_context>
chip_gen: v7x
topology: tpu7x:2x2x1
jax: 0.10.2.dev20260603
libtpu: 0.0.44.dev20260713+nightly
codegen_flags: <defaults>
</compile_context>

<pallas_src>
import functools

import jax
import jax.numpy as jnp
from jax import lax
from jax.experimental import pallas as pl
from jax.experimental.pallas import tpu as pltpu
from jax.experimental.pallas import tpu_sc as plsc

_B, _L, _D, _K = 2, 128, 128, 100000
_TOPK = 10
_SWAP_RATIO = 0.3
_NSPECIAL = 999
_NROWS = _B * _L
_RB = 8
_NPROG = _NROWS // _RB
_NEG_INF = float("-inf")


def _topk_kernel(pred_ref, idx_ref, scratch_ref):
    scratch_ref[...] = pred_ref[...]
    kio = lax.broadcasted_iota(jnp.int32, (_RB, _K), 1)
    for t in range(_TOPK):
        x = scratch_ref[...]
        m = jnp.max(x, axis=1, keepdims=True)
        am = jnp.min(jnp.where(x == m, kio, _K), axis=1, keepdims=True)
        idx_ref[:, t : t + 1] = am
        scratch_ref[...] = jnp.where(kio == am, _NEG_INF, x)


def _topk(pred2d):
    return pl.pallas_call(
        _topk_kernel,
        grid=(_NPROG,),
        in_specs=[pl.BlockSpec((_RB, _K), lambda i: (i, 0))],
        out_specs=pl.BlockSpec((_RB, _TOPK), lambda i: (i, 0)),
        out_shape=jax.ShapeDtypeStruct((_NROWS, _TOPK), jnp.int32),
        scratch_shapes=[pltpu.VMEM((_RB, _K), jnp.float32)],
        compiler_params=pltpu.CompilerParams(
            dimension_semantics=("arbitrary",)
        ),
    )(pred2d)


def _gather_rows(table, idx_flat):
    info = plsc.get_sparse_core_info()
    nw = info.num_cores * info.num_subcores
    n = idx_flat.shape[0]
    per = n // nw

    mesh = plsc.VectorSubcoreMesh(core_axis_name="c", subcore_axis_name="s")

    @functools.partial(
        pl.kernel,
        mesh=mesh,
        out_type=jax.ShapeDtypeStruct((n, _D), jnp.float32),
        scratch_types=[
            pltpu.VMEM((per,), jnp.int32),
            pltpu.VMEM((per, _D), jnp.float32),
            pltpu.SemaphoreType.DMA,
        ],
    )
    def gk(table_hbm, idx_hbm, out_hbm, idx_v, rows_v, sem):
        wid = lax.axis_index("s") * info.num_cores + lax.axis_index("c")
        base = wid * per
        pltpu.sync_copy(idx_hbm.at[pl.ds(base, per)], idx_v)
        pltpu.async_copy(table_hbm.at[idx_v], rows_v, sem).wait()
        pltpu.sync_copy(rows_v, out_hbm.at[pl.ds(base, per)])

    return gk(table, idx_flat)


def _fuse_kernel(idx_ref, g_ref, d_ref, s_ref, tok_ref, rv_ref, attn_ref,
                 f_ref, adv_ref):
    idx = idx_ref[...]
    attn = attn_ref[...]
    idxm = idx * attn
    eg = g_ref[...]
    dl = d_ref[...]
    se = s_ref[...]
    tok = tok_ref[...]
    rv = rv_ref[...]

    new_dot = jnp.sum(dl[:, None, :] * eg, axis=2)
    cross = jnp.sum(se[:, None, :] * eg, axis=2)
    prev = jnp.sum(dl * se, axis=1, keepdims=True)
    e_sq = jnp.sum(eg * eg, axis=2)
    s_sq = jnp.sum(se * se, axis=1, keepdims=True)
    dird = new_dot - prev
    dist = jnp.sqrt(jnp.maximum(e_sq + s_sq - 2.0 * cross, 0.0) + 1e-20)
    score = dird / dist

    neg = jnp.float32(_NEG_INF)
    score = jnp.where(idxm < _NSPECIAL, neg, score)
    score = jnp.where(idxm == tok, neg, score)

    kio = lax.broadcasted_iota(jnp.int32, (_RB, _K), 1)
    f = jnp.full((_RB, _K), neg, dtype=jnp.float32)
    for t in range(_TOPK):
        f = jnp.where(kio == idxm[:, t : t + 1], score[:, t : t + 1], f)
    f_ref[...] = f

    best = jnp.max(score, axis=1, keepdims=True)
    cand = jnp.where(score == best, idxm, _K)
    flip = jnp.min(cand, axis=1, keepdims=True)
    flip = jnp.where(best == neg, 0, flip)

    nsp = (tok >= _NSPECIAL).astype(jnp.int32)
    swap = (rv > jnp.float32(1.0 - _SWAP_RATIO)).astype(jnp.int32)
    mi = nsp * swap
    adv_ref[...] = tok * (1 - mi) + flip * mi


def _fuse(idx, g, d2, s2, tok, rv, attn):
    return pl.pallas_call(
        _fuse_kernel,
        grid=(_NPROG,),
        in_specs=[
            pl.BlockSpec((_RB, _TOPK), lambda i: (i, 0)),
            pl.BlockSpec((_RB, _TOPK, _D), lambda i: (i, 0, 0)),
            pl.BlockSpec((_RB, _D), lambda i: (i, 0)),
            pl.BlockSpec((_RB, _D), lambda i: (i, 0)),
            pl.BlockSpec((_RB, 1), lambda i: (i, 0)),
            pl.BlockSpec((_RB, 1), lambda i: (i, 0)),
            pl.BlockSpec((_RB, 1), lambda i: (i, 0)),
        ],
        out_specs=[
            pl.BlockSpec((_RB, _K), lambda i: (i, 0)),
            pl.BlockSpec((_RB, 1), lambda i: (i, 0)),
        ],
        out_shape=[
            jax.ShapeDtypeStruct((_NROWS, _K), jnp.float32),
            jax.ShapeDtypeStruct((_NROWS, 1), jnp.int32),
        ],
        compiler_params=pltpu.CompilerParams(
            dimension_semantics=("arbitrary",)
        ),
    )(idx, g, d2, s2, tok, rv, attn)


def kernel(delta_grad, embedding_matrix, src_embeds, pred_lm, rand_vals,
           src_tokens, attention_mask):
    idx = _topk(pred_lm.reshape(_NROWS, _K))
    rows = _gather_rows(embedding_matrix, idx.reshape(-1))
    g = rows.reshape(_NROWS, _TOPK, _D)
    d2 = delta_grad.reshape(_NROWS, _D)
    s2 = src_embeds.reshape(_NROWS, _D)
    tok = src_tokens.reshape(_NROWS, 1)
    rv = rand_vals.reshape(_NROWS, 1)
    attn = attention_mask.reshape(_NROWS, 1).astype(jnp.int32)
    filtered, adv = _fuse(idx, g, d2, s2, tok, rv, attn)
    return adv.reshape(_B, _L), filtered.reshape(_B, _L, _K)

# --- scband reference (transcript-rebuilt; emitter-appended) ---
"""Pipeline reference for scband-dvat-5403068858731 (READ-ONLY COPY).

The authoritative reference and input builder live on the scoring server;
editing this copy changes nothing except your own understanding.
"""

import jax, jax.numpy as jnp
import numpy as np

B, L, D, K = 2, 128, 128, 100000
TOPK = 10
SWAP_RATIO = 0.3
N_SPECIAL = 999


def setup_inputs(seed: int = 0) -> dict:
    key = jax.random.key(seed)
    ks = jax.random.split(key, 6)
    delta_grad = jax.random.normal(ks[0], (B, L, D), dtype=jnp.float32)
    embedding_matrix = jax.random.normal(ks[1], (K, D), dtype=jnp.float32)
    src_embeds = jax.random.normal(ks[2], (B, L, D), dtype=jnp.float32)
    pred_lm = jax.random.normal(ks[3], (B, L, K), dtype=jnp.float32)
    rand_vals = jax.random.uniform(ks[4], (B, L), dtype=jnp.float32)
    src_tokens = jax.random.randint(ks[5], (B, L), 0, K)
    attention_mask = jnp.ones((B, L), dtype=jnp.int32)
    return {
        'delta_grad': delta_grad,
        'embedding_matrix': embedding_matrix,
        'src_embeds': src_embeds,
        'pred_lm': pred_lm,
        'rand_vals': rand_vals,
        'src_tokens': src_tokens,
        'attention_mask': attention_mask,
    }


def _pairwise_distance(src_embeds, vocab_embeds):
    vocab_sq_norm = jnp.sum(vocab_embeds ** 2, axis=-1)  # [K]
    src_sq_norm = jnp.sum(src_embeds ** 2, axis=-1)      # [B, L]
    dot = jnp.einsum('bij,kj->bik', src_embeds, vocab_embeds)
    sq_norm = vocab_sq_norm[None, None, :] + src_sq_norm[..., None] - 2.0 * dot
    sq_norm = jax.nn.relu(sq_norm) + 1e-20
    return jnp.sqrt(sq_norm)


def reference(delta_grad, embedding_matrix, src_embeds, pred_lm, rand_vals, src_tokens, attention_mask):
    # discrete_vat core (brute-force adversarial token flip against codebook)
    new_embed_dot_grad = jnp.einsum('bij,kj->bik', delta_grad, embedding_matrix)
    prev_embed_dot_grad = jnp.einsum('bij,bij->bi', delta_grad, src_embeds)
    dir_dot_grad = prev_embed_dot_grad[..., None] - new_embed_dot_grad
    dir_dot_grad = dir_dot_grad * -1.0
    dir_norm = _pairwise_distance(src_embeds, embedding_matrix)
    dir_dot_grad = dir_dot_grad / dir_norm

    no_special_tokens = (src_tokens >= N_SPECIAL).astype(jnp.float32)
    swap = (rand_vals > (1.0 - SWAP_RATIO)).astype(jnp.float32)
    mask_idx = jnp.clip(no_special_tokens * swap, 0.0, 1.0).astype(src_tokens.dtype)

    _, top_k_lm_idx = jax.lax.top_k(pred_lm, TOPK)  # [B, L, TOPK]
    top_k_lm_idx = top_k_lm_idx * attention_mask[..., None].astype(top_k_lm_idx.dtype)

    bi = jnp.arange(B)[:, None, None]
    li = jnp.arange(L)[None, :, None]
    mask = jnp.full(dir_dot_grad.shape, -jnp.inf, dtype=jnp.float32)
    mask = mask.at[bi, li, top_k_lm_idx].set(0.0)

    filtered = dir_dot_grad + mask
    filtered = filtered.at[:, :, :N_SPECIAL].set(-jnp.inf)
    filtered = filtered.at[bi, li, src_tokens[..., None]].set(-jnp.inf)

    adv_flip = jnp.argmax(filtered, axis=2).astype(src_tokens.dtype)
    ori_tokens = src_tokens * (1 - mask_idx)
    adv_tokens = ori_tokens + adv_flip * mask_idx
    return adv_tokens, filtered

if __name__ == "__main__":
    import jax
    _d = setup_inputs()
    print(jax.jit(kernel)(*tuple(_d.values())))

</pallas_src>

<mosaic_0001>
#map = affine_map<(d0, d1) -> (0, 0)>
#map1 = affine_map<(d0, d1) -> (0)>
module attributes {stable_mosaic.version = 14 : i64} {
  func.func @gk(%arg0: i32, %arg1: i32, %arg2: memref<100000x128xf32, #tpu.memory_space<hbm>>, %arg3: memref<2560xi32, #tpu.memory_space<hbm>>, %arg4: memref<2560x128xf32, #tpu.memory_space<hbm>>, %arg5: memref<80xi32, #tpu.memory_space<vmem>>, %arg6: memref<80x128xf32, #tpu.memory_space<vmem>>, %arg7: memref<!tpu.dma_semaphore, #tpu.memory_space<semaphore_mem>>) attributes {dimension_semantics = [#tpu.dimension_semantics<core_parallel>, #tpu.dimension_semantics<subcore_parallel>], iteration_bounds = array<i64: 2, 16>, scalar_prefetch = 0 : i64, scratch_operands = 3 : i64, tpu.core_type = #tpu.core_type<sc_vector_subcore>, window_params = [{transform_indices = #map}, {transform_indices = #map1}, {transform_indices = #map}]} {
    %mul3A = arith.constant 2 : i32
    %mul3A_0 = arith.muli %arg1, %mul3A : i32
    %add3A = arith.addi %mul3A_0, %arg0 : i32
    %mul3A_1 = arith.constant 80 : i32
    %mul3A_2 = arith.muli %add3A, %mul3A_1 : i32
    "tpu.region"() ({
      %run_scoped3A = tpu.sem_alloc : memref<!tpu.dma_semaphore, #tpu.memory_space<semaphore_mem>>
      %dma_start3A_7 = tpu.memref_slice %arg3[%mul3A_2] : memref<2560xi32, #tpu.memory_space<hbm>> -> memref<80xi32, #tpu.memory_space<hbm>>
      %dma_start3A_8 = tpu.memref_slice %arg3[%mul3A_2] : memref<2560xi32, #tpu.memory_space<hbm>> -> memref<80xi32, #tpu.memory_space<hbm>>
      tpu.enqueue_dma source(%dma_start3A_8 : memref<80xi32, #tpu.memory_space<hbm>>) target(%arg5 : memref<80xi32, #tpu.memory_space<vmem>>) target_semaphore(%run_scoped3A : memref<!tpu.dma_semaphore, #tpu.memory_space<semaphore_mem>>)
      %dma_wait3A_9 = tpu.memref_slice %arg3[%mul3A_2] : memref<2560xi32, #tpu.memory_space<hbm>> -> memref<80xi32, #tpu.memory_space<hbm>>
      %dma_wait3A_10 = tpu.memref_slice %arg3[%mul3A_2] : memref<2560xi32, #tpu.memory_space<hbm>> -> memref<80xi32, #tpu.memory_space<hbm>>
      tpu.wait_dma2 semaphore(%run_scoped3A : memref<!tpu.dma_semaphore, #tpu.memory_space<semaphore_mem>>) src(%dma_wait3A_10 : memref<80xi32, #tpu.memory_space<hbm>>) dst(%arg5 : memref<80xi32, #tpu.memory_space<vmem>>)
      tpu.yield
    }) : () -> ()
    %dma_start3A = arith.constant 0 : i32
    %dma_start3A_3 = arith.constant 0 : i32
    %dma_start3A_4 = tpu.memref_slice %arg2[%dma_start3A, %dma_start3A_3] : memref<100000x128xf32, #tpu.memory_space<hbm>> -> memref<100000x128xf32, #tpu.memory_space<hbm>>
    tpu.enqueue_indirect_dma source(%dma_start3A_4 : memref<100000x128xf32, #tpu.memory_space<hbm>>) target(%arg6 : memref<80x128xf32, #tpu.memory_space<vmem>>) offsets(%arg5 : memref<80xi32, #tpu.memory_space<vmem>>) semaphore(%arg7 : memref<!tpu.dma_semaphore, #tpu.memory_space<semaphore_mem>>)
    %dma_wait3A = arith.constant 0 : i32
    %dma_wait3A_5 = arith.constant 0 : i32
    %dma_wait3A_6 = tpu.memref_slice %arg2[%dma_wait3A, %dma_wait3A_5] : memref<100000x128xf32, #tpu.memory_space<hbm>> -> memref<100000x128xf32, #tpu.memory_space<hbm>>
    tpu.wait_indirect_dma semaphore(%arg7 : memref<!tpu.dma_semaphore, #tpu.memory_space<semaphore_mem>>) src(%dma_wait3A_6 : memref<100000x128xf32, #tpu.memory_space<hbm>>) dst(%arg6 : memref<80x128xf32, #tpu.memory_space<vmem>>)
    "tpu.region"() ({
      %run_scoped3A = tpu.sem_alloc : memref<!tpu.dma_semaphore, #tpu.memory_space<semaphore_mem>>
      %dma_start3A_7 = arith.constant 0 : i32
      %dma_start3A_8 = tpu.memref_slice %arg4[%mul3A_2, %dma_start3A_7] : memref<2560x128xf32, #tpu.memory_space<hbm>> -> memref<80x128xf32, #tpu.memory_space<hbm>>
      %dma_start3A_9 = arith.constant 0 : i32
      %dma_start3A_10 = tpu.memref_slice %arg4[%mul3A_2, %dma_start3A_9] : memref<2560x128xf32, #tpu.memory_space<hbm>> -> memref<80x128xf32, #tpu.memory_space<hbm>>
      tpu.enqueue_dma source(%arg6 : memref<80x128xf32, #tpu.memory_space<vmem>>) target(%dma_start3A_10 : memref<80x128xf32, #tpu.memory_space<hbm>>) target_semaphore(%run_scoped3A : memref<!tpu.dma_semaphore, #tpu.memory_space<semaphore_mem>>)
      %dma_wait3A_11 = arith.constant 0 : i32
      %dma_wait3A_12 = tpu.memref_slice %arg4[%mul3A_2, %dma_wait3A_11] : memref<2560x128xf32, #tpu.memory_space<hbm>> -> memref<80x128xf32, #tpu.memory_space<hbm>>
      %dma_wait3A_13 = arith.constant 0 : i32
      %dma_wait3A_14 = tpu.memref_slice %arg4[%mul3A_2, %dma_wait3A_13] : memref<2560x128xf32, #tpu.memory_space<hbm>> -> memref<80x128xf32, #tpu.memory_space<hbm>>
      tpu.wait_dma2 semaphore(%run_scoped3A : memref<!tpu.dma_semaphore, #tpu.memory_space<semaphore_mem>>) src(%arg6 : memref<80x128xf32, #tpu.memory_space<vmem>>) dst(%dma_wait3A_14 : memref<80x128xf32, #tpu.memory_space<hbm>>)
      tpu.yield
    }) : () -> ()
    return
  }
}

module attributes {stable_mosaic.version = 14 : i64} {
  func.func @_fuse_kernel(%arg0: i32, %arg1: memref<8x10xi32, #tpu.memory_space<vmem>>, %arg2: memref<8x10x128xf32, #tpu.memory_space<vmem>>, %arg3: memref<8x128xf32, #tpu.memory_space<vmem>>, %arg4: memref<8x128xf32, #tpu.memory_space<vmem>>, %arg5: memref<8x1xi32, #tpu.memory_space<vmem>>, %arg6: memref<8x1xf32, #tpu.memory_space<vmem>>, %arg7: memref<8x1xi32, #tpu.memory_space<vmem>>, %arg8: memref<8x100000xf32, #tpu.memory_space<vmem>>, %arg9: memref<8x1xi32, #tpu.memory_space<vmem>>) attributes {dimension_semantics = [#tpu.dimension_semantics<arbitrary>], iteration_bounds = array<i64: 32>, scalar_prefetch = 0 : i64, scratch_operands = 0 : i64, tpu.core_type = #tpu.core_type<tc>, window_params = [{transform_indices = @transform_0, window_bounds = array<i64: 8, 10>}, {transform_indices = @transform_1, window_bounds = array<i64: 8, 10, 128>}, {transform_indices = @transform_2, window_bounds = array<i64: 8, 128>}, {transform_indices = @transform_3, window_bounds = array<i64: 8, 128>}, {transform_indices = @transform_4, window_bounds = array<i64: 8, 1>}, {transform_indices = @transform_5, window_bounds = array<i64: 8, 1>}, {transform_indices = @transform_6, window_bounds = array<i64: 8, 1>}, {transform_indices = @transform_7, window_bounds = array<i64: 8, 100000>}, {transform_indices = @transform_8, window_bounds = array<i64: 8, 1>}]} {
    %get3A = arith.constant 0 : index
    %get3A_0 = arith.constant 0 : index
    %get3A_1 = vector.load %arg1[%get3A, %get3A_0] : memref<8x10xi32, #tpu.memory_space<vmem>>, vector<8x10xi32>
    %get3A_2 = arith.constant 0 : index
    %get3A_3 = arith.constant 0 : index
    %get3A_4 = vector.load %arg7[%get3A_2, %get3A_3] : memref<8x1xi32, #tpu.memory_space<vmem>>, vector<8x1xi32>
    %mul3A = vector.broadcast %get3A_4 : vector<8x1xi32> to vector<8x10xi32>
    %mul3A_5 = arith.muli %get3A_1, %mul3A : vector<8x10xi32>
    %get3A_6 = arith.constant 0 : index
    %get3A_7 = arith.constant 0 : index
    %get3A_8 = arith.constant 0 : index
    %get3A_9 = vector.load %arg2[%get3A_6, %get3A_7, %get3A_8] : memref<8x10x128xf32, #tpu.memory_space<vmem>>, vector<8x10x128xf32>
    %get3A_10 = arith.constant 0 : index
    %get3A_11 = arith.constant 0 : index
    %get3A_12 = vector.load %arg3[%get3A_10, %get3A_11] : memref<8x128xf32, #tpu.memory_space<vmem>>, vector<8x128xf32>
    %get3A_13 = arith.constant 0 : index
    %get3A_14 = arith.constant 0 : index
    %get3A_15 = vector.load %arg4[%get3A_13, %get3A_14] : memref<8x128xf32, #tpu.memory_space<vmem>>, vector<8x128xf32>
    %get3A_16 = arith.constant 0 : index
    %get3A_17 = arith.constant 0 : index
    %get3A_18 = vector.load %arg5[%get3A_16, %get3A_17] : memref<8x1xi32, #tpu.memory_space<vmem>>, vector<8x1xi32>
    %get3A_19 = arith.constant 0 : index
    %get3A_20 = arith.constant 0 : index
    %get3A_21 = vector.load %arg6[%get3A_19, %get3A_20] : memref<8x1xf32, #tpu.memory_space<vmem>>, vector<8x1xf32>
    %broadcast_in_dim3A = vector.shape_cast %get3A_12 : vector<8x128xf32> to vector<8x1x128xf32>
    %mul3A_22 = vector.broadcast %broadcast_in_dim3A : vector<8x1x128xf32> to vector<8x10x128xf32>
    %mul3A_23 = arith.mulf %mul3A_22, %get3A_9 : vector<8x10x128xf32>
    %reduce_sum3A = arith.constant dense<0.000000e+00> : vector<8x10xf32>
    %reduce_sum3A_24 = vector.multi_reduction <add>, %mul3A_23, %reduce_sum3A [2] : vector<8x10x128xf32> to vector<8x10xf32>
    %broadcast_in_dim3A_25 = vector.shape_cast %get3A_15 : vector<8x128xf32> to vector<8x1x128xf32>
    %mul3A_26 = vector.broadcast %broadcast_in_dim3A_25 : vector<8x1x128xf32> to vector<8x10x128xf32>
    %mul3A_27 = arith.mulf %mul3A_26, %get3A_9 : vector<8x10x128xf32>
    %reduce_sum3A_28 = arith.constant dense<0.000000e+00> : vector<8x10xf32>
    %reduce_sum3A_29 = vector.multi_reduction <add>, %mul3A_27, %reduce_sum3A_28 [2] : vector<8x10x128xf32> to vector<8x10xf32>
    %mul3A_30 = arith.mulf %get3A_12, %get3A_15 : vector<8x128xf32>
    %reduce_sum3A_31 = arith.constant dense<0.000000e+00> : vector<8xf32>
    %reduce_sum3A_32 = vector.multi_reduction <add>, %mul3A_30, %reduce_sum3A_31 [1] : vector<8x128xf32> to vector<8xf32>
    %broadcast_in_dim3A_33 = vector.shape_cast %reduce_sum3A_32 : vector<8xf32> to vector<8x1xf32>
    %mul3A_34 = arith.mulf %get3A_9, %get3A_9 : vector<8x10x128xf32>
    %reduce_sum3A_35 = arith.constant dense<0.000000e+00> : vector<8x10xf32>
    %reduce_sum3A_36 = vector.multi_reduction <add>, %mul3A_34, %reduce_sum3A_35 [2] : vector<8x10x128xf32> to vector<8x10xf32>
    %mul3A_37 = arith.mulf %get3A_15, %get3A_15 : vector<8x128xf32>
    %reduce_sum3A_38 = arith.constant dense<0.000000e+00> : vector<8xf32>
    %reduce_sum3A_39 = vector.multi_reduction <add>, %mul3A_37, %reduce_sum3A_38 [1] : vector<8x128xf32> to vector<8xf32>
    %broadcast_in_dim3A_40 = vector.shape_cast %reduce_sum3A_39 : vector<8xf32> to vector<8x1xf32>
    %sub3A = vector.broadcast %broadcast_in_dim3A_33 : vector<8x1xf32> to vector<8x10xf32>
    %sub3A_41 = arith.subf %reduce_sum3A_24, %sub3A : vector<8x10xf32>
    %add3A = vector.broadcast %broadcast_in_dim3A_40 : vector<8x1xf32> to vector<8x10xf32>
    %add3A_42 = arith.addf %reduce_sum3A_36, %add3A : vector<8x10xf32>
    %mul3A_43 = arith.constant 2.000000e+00 : f32
    %mul3A_44 = vector.broadcast %mul3A_43 : f32 to vector<8x10xf32>
    %mul3A_45 = arith.mulf %mul3A_44, %reduce_sum3A_29 : vector<8x10xf32>
    %sub3A_46 = arith.subf %add3A_42, %mul3A_45 : vector<8x10xf32>
    %max3A = arith.constant 0.000000e+00 : f32
    %max3A_47 = vector.broadcast %max3A : f32 to vector<8x10xf32>
    %max3A_48 = arith.maximumf %sub3A_46, %max3A_47 : vector<8x10xf32>
    %add3A_49 = arith.constant 9.99999968E-21 : f32
    %add3A_50 = vector.broadcast %add3A_49 : f32 to vector<8x10xf32>
    %add3A_51 = arith.addf %max3A_48, %add3A_50 : vector<8x10xf32>
    %sqrt3A = math.sqrt %add3A_51 : vector<8x10xf32>
    %div3A = arith.divf %sub3A_41, %sqrt3A : vector<8x10xf32>
    %lt3A = arith.constant 999 : i32
    %lt3A_52 = vector.broadcast %lt3A : i32 to vector<8x10xi32>
    %lt3A_53 = arith.cmpi slt, %mul3A_5, %lt3A_52 : vector<8x10xi32>
    %jit3A = arith.constant 0xFF800000 : f32
    %broadcast_in_dim3A_54 = vector.broadcast %jit3A : f32 to vector<8x10xf32>
    %select_n3A = arith.select %lt3A_53, %broadcast_in_dim3A_54, %div3A : vector<8x10xi1>, vector<8x10xf32>
    %eq3A = vector.broadcast %get3A_18 : vector<8x1xi32> to vector<8x10xi32>
    %eq3A_55 = arith.cmpi eq, %mul3A_5, %eq3A : vector<8x10xi32>
    %jit3A_56 = arith.constant 0xFF800000 : f32
    %broadcast_in_dim3A_57 = vector.broadcast %jit3A_56 : f32 to vector<8x10xf32>
    %select_n3A_58 = arith.select %eq3A_55, %broadcast_in_dim3A_57, %select_n3A : vector<8x10xi1>, vector<8x10xf32>
    %iota3A = tpu.iota {dimensions = array<i32: 1>} : vector<8x100000xi32>
    %broadcast_in_dim3A_59 = arith.constant 0xFF800000 : f32
    %broadcast_in_dim3A_60 = vector.broadcast %broadcast_in_dim3A_59 : f32 to vector<8x100000xf32>
    %slice3A = vector.extract_strided_slice %mul3A_5 {offsets = [0, 0], sizes = [8, 1], strides = [1, 1]} : vector<8x10xi32> to vector<8x1xi32>
    %eq3A_61 = vector.broadcast %slice3A : vector<8x1xi32> to vector<8x100000xi32>
    %eq3A_62 = arith.cmpi eq, %iota3A, %eq3A_61 : vector<8x100000xi32>
    %slice3A_63 = vector.extract_strided_slice %select_n3A_58 {offsets = [0, 0], sizes = [8, 1], strides = [1, 1]} : vector<8x10xf32> to vector<8x1xf32>
    %broadcast_in_dim3A_64 = vector.shape_cast %slice3A_63 : vector<8x1xf32> to vector<8x1xf32>
    %broadcast_in_dim3A_65 = vector.broadcast %broadcast_in_dim3A_64 : vector<8x1xf32> to vector<8x100000xf32>
    %select_n3A_66 = arith.select %eq3A_62, %broadcast_in_dim3A_65, %broadcast_in_dim3A_60 : vector<8x100000xi1>, vector<8x100000xf32>
    %slice3A_67 = vector.extract_strided_slice %mul3A_5 {offsets = [0, 1], sizes = [8, 1], strides = [1, 1]} : vector<8x10xi32> to vector<8x1xi32>
    %eq3A_68 = vector.broadcast %slice3A_67 : vector<8x1xi32> to vector<8x100000xi32>
    %eq3A_69 = arith.cmpi eq, %iota3A, %eq3A_68 : vector<8x100000xi32>
    %slice3A_70 = vector.extract_strided_slice %select_n3A_58 {offsets = [0, 1], sizes = [8, 1], strides = [1, 1]} : vector<8x10xf32> to vector<8x1xf32>
    %broadcast_in_dim3A_71 = vector.shape_cast %slice3A_70 : vector<8x1xf32> to vector<8x1xf32>
    %broadcast_in_dim3A_72 = vector.broadcast %broadcast_in_dim3A_71 : vector<8x1xf32> to vector<8x100000xf32>
    %select_n3A_73 = arith.select %eq3A_69, %broadcast_in_dim3A_72, %select_n3A_66 : vector<8x100000xi1>, vector<8x100000xf32>
    %slice3A_74 = vector.extract_strided_slice %mul3A_5 {offsets = [0, 2], sizes = [8, 1], strides = [1, 1]} : vector<8x10xi32> to vector<8x1xi32>
    %eq3A_75 = vector.broadcast %slice3A_74 : vector<8x1xi32> to vector<8x100000xi32>
    %eq3A_76 = arith.cmpi eq, %iota3A, %eq3A_75 : vector<8x100000xi32>
    %slice3A_77 = vector.extract_strided_slice %select_n3A_58 {offsets = [0, 2], sizes = [8, 1], strides = [1, 1]} : vector<8x10xf32> to vector<8x1xf32>
    %broadcast_in_dim3A_78 = vector.shape_cast %slice3A_77 : vector<8x1xf32> to vector<8x1xf32>
    %broadcast_in_dim3A_79 = vector.broadcast %broadcast_in_dim3A_78 : vector<8x1xf32> to vector<8x100000xf32>
    %select_n3A_80 = arith.select %eq3A_76, %broadcast_in_dim3A_79, %select_n3A_73 : vector<8x100000xi1>, vector<8x100000xf32>
    %slice3A_81 = vector.extract_strided_slice %mul3A_5 {offsets = [0, 3], sizes = [8, 1], strides = [1, 1]} : vector<8x10xi32> to vector<8x1xi32>
    %eq3A_82 = vector.broadcast %slice3A_81 : vector<8x1xi32> to vector<8x100000xi32>
    %eq3A_83 = arith.cmpi eq, %iota3A, %eq3A_82 : vector<8x100000xi32>
    %slice3A_84 = vector.extract_strided_slice %select_n3A_58 {offsets = [0, 3], sizes = [8, 1], strides = [1, 1]} : vector<8x10xf32> to vector<8x1xf32>
    %broadcast_in_dim3A_85 = vector.shape_cast %slice3A_84 : vector<8x1xf32> to vector<8x1xf32>
    %broadcast_in_dim3A_86 = vector.broadcast %broadcast_in_dim3A_85 : vector<8x1xf32> to vector<8x100000xf32>
    %select_n3A_87 = arith.select %eq3A_83, %broadcast_in_dim3A_86, %select_n3A_80 : vector<8x100000xi1>, vector<8x100000xf32>
    %slice3A_88 = vector.extract_strided_slice %mul3A_5 {offsets = [0, 4], sizes = [8, 1], strides = [1, 1]} : vector<8x10xi32> to vector<8x1xi32>
    %eq3A_89 = vector.broadcast %slice3A_88 : vector<8x1xi32> to vector<8x100000xi32>
    %eq3A_90 = arith.cmpi eq, %iota3A, %eq3A_89 : vector<8x100000xi32>
    %slice3A_91 = vector.extract_strided_slice %select_n3A_58 {offsets = [0, 4], sizes = [8, 1], strides = [1, 1]} : vector<8x10xf32> to vector<8x1xf32>
    %broadcast_in_dim3A_92 = vector.shape_cast %slice3A_91 : vector<8x1xf32> to vector<8x1xf32>
    %broadcast_in_dim3A_93 = vector.broadcast %broadcast_in_dim3A_92 : vector<8x1xf32> to vector<8x100000xf32>
    %select_n3A_94 = arith.select %eq3A_90, %broadcast_in_dim3A_93, %select_n3A_87 : vector<8x100000xi1>, vector<8x100000xf32>
    %slice3A_95 = vector.extract_strided_slice %mul3A_5 {offsets = [0, 5], sizes = [8, 1], strides = [1, 1]} : vector<8x10xi32> to vector<8x1xi32>
    %eq3A_96 = vector.broadcast %slice3A_95 : vector<8x1xi32> to vector<8x100000xi32>
    %eq3A_97 = arith.cmpi eq, %iota3A, %eq3A_96 : vector<8x100000xi32>
    %slice3A_98 = vector.extract_strided_slice %select_n3A_58 {offsets = [0, 5], sizes = [8, 1], strides = [1, 1]} : vector<8x10xf32> to vector<8x1xf32>
    %broadcast_in_dim3A_99 = vector.shape_cast %slice3A_98 : vector<8x1xf32> to vector<8x1xf32>
    %broadcast_in_dim3A_100 = vector.broadcast %broadcast_in_dim3A_99 : vector<8x1xf32> to vector<8x100000xf32>
    %select_n3A_101 = arith.select %eq3A_97, %broadcast_in_dim3A_100, %select_n3A_94 : vector<8x100000xi1>, vector<8x100000xf32>
    %slice3A_102 = vector.extract_strided_slice %mul3A_5 {offsets = [0, 6], sizes = [8, 1], strides = [1, 1]} : vector<8x10xi32> to vector<8x1xi32>
    %eq3A_103 = vector.broadcast %slice3A_102 : vector<8x1xi32> to vector<8x100000xi32>
    %eq3A_104 = arith.cmpi eq, %iota3A, %eq3A_103 : vector<8x100000xi32>
    %slice3A_105 = vector.extract_strided_slice %select_n3A_58 {offsets = [0, 6], sizes = [8, 1], strides = [1, 1]} : vector<8x10xf32> to vector<8x1xf32>
    %broadcast_in_dim3A_106 = vector.shape_cast %slice3A_105 : vector<8x1xf32> to vector<8x1xf32>
    %broadcast_in_dim3A_107 = vector.broadcast %broadcast_in_dim3A_106 : vector<8x1xf32> to vector<8x100000xf32>
    %select_n3A_108 = arith.select %eq3A_104, %broadcast_in_dim3A_107, %select_n3A_101 : vector<8x100000xi1>, vector<8x100000xf32>
    %slice3A_109 = vector.extract_strided_slice %mul3A_5 {offsets = [0, 7], sizes = [8, 1], strides = [1, 1]} : vector<8x10xi32> to vector<8x1xi32>
    %eq3A_110 = vector.broadcast %slice3A_109 : vector<8x1xi32> to vector<8x100000xi32>
    %eq3A_111 = arith.cmpi eq, %iota3A, %eq3A_110 : vector<8x100000xi32>
    %slice3A_112 = vector.extract_strided_slice %select_n3A_58 {offsets = [0, 7], sizes = [8, 1], strides = [1, 1]} : vector<8x10xf32> to vector<8x1xf32>
    %broadcast_in_dim3A_113 = vector.shape_cast %slice3A_112 : vector<8x1xf32> to vector<8x1xf32>
    %broadcast_in_dim3A_114 = vector.broadcast %broadcast_in_dim3A_113 : vector<8x1xf32> to vector<8x100000xf32>
    %select_n3A_115 = arith.select %eq3A_111, %broadcast_in_dim3A_114, %select_n3A_108 : vector<8x100000xi1>, vector<8x100000xf32>
    %slice3A_116 = vector.extract_strided_slice %mul3A_5 {offsets = [0, 8], sizes = [8, 1], strides = [1, 1]} : vector<8x10xi32> to vector<8x1xi32>
    %eq3A_117 = vector.broadcast %slice3A_116 : vector<8x1xi32> to vector<8x100000xi32>
    %eq3A_118 = arith.cmpi eq, %iota3A, %eq3A_117 : vector<8x100000xi32>
    %slice3A_119 = vector.extract_strided_slice %select_n3A_58 {offsets = [0, 8], sizes = [8, 1], strides = [1, 1]} : vector<8x10xf32> to vector<8x1xf32>
    %broadcast_in_dim3A_120 = vector.shape_cast %slice3A_119 : vector<8x1xf32> to vector<8x1xf32>
    %broadcast_in_dim3A_121 = vector.broadcast %broadcast_in_dim3A_120 : vector<8x1xf32> to vector<8x100000xf32>
    %select_n3A_122 = arith.select %eq3A_118, %broadcast_in_dim3A_121, %select_n3A_115 : vector<8x100000xi1>, vector<8x100000xf32>
    %slice3A_123 = vector.extract_strided_slice %mul3A_5 {offsets = [0, 9], sizes = [8, 1], strides = [1, 1]} : vector<8x10xi32> to vector<8x1xi32>
    %eq3A_124 = vector.broadcast %slice3A_123 : vector<8x1xi32> to vector<8x100000xi32>
    %eq3A_125 = arith.cmpi eq, %iota3A, %eq3A_124 : vector<8x100000xi32>
    %slice3A_126 = vector.extract_strided_slice %select_n3A_58 {offsets = [0, 9], sizes = [8, 1], strides = [1, 1]} : vector<8x10xf32> to vector<8x1xf32>
    %broadcast_in_dim3A_127 = vector.shape_cast %slice3A_126 : vector<8x1xf32> to vector<8x1xf32>
    %broadcast_in_dim3A_128 = vector.broadcast %broadcast_in_dim3A_127 : vector<8x1xf32> to vector<8x100000xf32>
    %select_n3A_129 = arith.select %eq3A_125, %broadcast_in_dim3A_128, %select_n3A_122 : vector<8x100000xi1>, vector<8x100000xf32>
    %swap3A = arith.constant 0 : index
    %swap3A_130 = arith.constant 0 : index
    %swap3A_131 = vector.load %arg8[%swap3A, %swap3A_130] : memref<8x100000xf32, #tpu.memory_space<vmem>>, vector<8x100000xf32>
    tpu.vector_store %arg8[%swap3A, %swap3A_130], %select_n3A_129 {strides = array<i32>} : memref<8x100000xf32, #tpu.memory_space<vmem>>, vector<8x100000xf32>,
    %reduce_max3A = arith.constant dense<0xFF800000> : vector<8xf32>
    %reduce_max3A_132 = vector.multi_reduction <maximumf>, %select_n3A_58, %reduce_max3A [1] : vector<8x10xf32> to vector<8xf32>
    %broadcast_in_dim3A_133 = vector.shape_cast %reduce_max3A_132 : vector<8xf32> to vector<8x1xf32>
    %eq3A_134 = vector.broadcast %broadcast_in_dim3A_133 : vector<8x1xf32> to vector<8x10xf32>
    %eq3A_135 = arith.cmpf oeq, %select_n3A_58, %eq3A_134 : vector<8x10xf32>
    %jit3A_136 = arith.constant 100000 : i32
    %broadcast_in_dim3A_137 = vector.broadcast %jit3A_136 : i32 to vector<8x10xi32>
    %select_n3A_138 = arith.select %eq3A_135, %mul3A_5, %broadcast_in_dim3A_137 : vector<8x10xi1>, vector<8x10xi32>
    %reduce_min3A = arith.constant dense<2147483647> : vector<8xi32>
    %reduce_min3A_139 = vector.multi_reduction <minsi>, %select_n3A_138, %reduce_min3A [1] : vector<8x10xi32> to vector<8xi32>
    %broadcast_in_dim3A_140 = vector.shape_cast %reduce_min3A_139 : vector<8xi32> to vector<8x1xi32>
    %eq3A_141 = arith.constant 0xFF800000 : f32
    %eq3A_142 = vector.broadcast %eq3A_141 : f32 to vector<8x1xf32>
    %eq3A_143 = arith.cmpf oeq, %broadcast_in_dim3A_133, %eq3A_142 : vector<8x1xf32>
    %jit3A_144 = arith.constant 0 : i32
    %broadcast_in_dim3A_145 = vector.broadcast %jit3A_144 : i32 to vector<8x1xi32>
    %select_n3A_146 = arith.select %eq3A_143, %broadcast_in_dim3A_145, %broadcast_in_dim3A_140 : vector<8x1xi1>, vector<8x1xi32>
    %ge3A = arith.constant 999 : i32
    %ge3A_147 = vector.broadcast %ge3A : i32 to vector<8x1xi32>
    %ge3A_148 = arith.cmpi sge, %get3A_18, %ge3A_147 : vector<8x1xi32>
    %convert_element_type3A = arith.extui %ge3A_148 : vector<8x1xi1> to vector<8x1xi32>
    %gt3A = arith.constant 0.699999988 : f32
    %gt3A_149 = vector.broadcast %gt3A : f32 to vector<8x1xf32>
    %gt3A_150 = arith.cmpf ogt, %get3A_21, %gt3A_149 : vector<8x1xf32>
    %convert_element_type3A_151 = arith.extui %gt3A_150 : vector<8x1xi1> to vector<8x1xi32>
    %mul3A_152 = arith.muli %convert_element_type3A, %convert_element_type3A_151 : vector<8x1xi32>
    %sub3A_153 = arith.constant 1 : i32
    %sub3A_154 = vector.broadcast %sub3A_153 : i32 to vector<8x1xi32>
    %sub3A_155 = arith.subi %sub3A_154, %mul3A_152 : vector<8x1xi32>
    %mul3A_156 = arith.muli %get3A_18, %sub3A_155 : vector<8x1xi32>
    %mul3A_157 = arith.muli %select_n3A_146, %mul3A_152 : vector<8x1xi32>
    %add3A_158 = arith.addi %mul3A_156, %mul3A_157 : vector<8x1xi32>
    %swap3A_159 = arith.constant 0 : index
    %swap3A_160 = arith.constant 0 : index
    %swap3A_161 = vector.load %arg9[%swap3A_159, %swap3A_160] : memref<8x1xi32, #tpu.memory_space<vmem>>, vector<8x1xi32>
    tpu.vector_store %arg9[%swap3A_159, %swap3A_160], %add3A_158 {strides = array<i32>} : memref<8x1xi32, #tpu.memory_space<vmem>>, vector<8x1xi32>,
    return
  }
  func.func @transform_0(%arg0: i32) -> (i32, i32) {
    %c0_i32 = arith.constant 0 : i32
    %c0_i32_0 = arith.constant 0 : i32
    return %arg0, %c0_i32 : i32, i32
  }
  func.func @transform_1(%arg0: i32) -> (i32, i32, i32) {
    %c0_i32 = arith.constant 0 : i32
    %c0_i32_0 = arith.constant 0 : i32
    %c0_i32_1 = arith.constant 0 : i32
    return %arg0, %c0_i32, %c0_i32_0 : i32, i32, i32
  }
  func.func @transform_2(%arg0: i32) -> (i32, i32) {
    %c0_i32 = arith.constant 0 : i32
    %c0_i32_0 = arith.constant 0 : i32
    return %arg0, %c0_i32 : i32, i32
  }
  func.func @transform_3(%arg0: i32) -> (i32, i32) {
    %c0_i32 = arith.constant 0 : i32
    %c0_i32_0 = arith.constant 0 : i32
    return %arg0, %c0_i32 : i32, i32
  }
  func.func @transform_4(%arg0: i32) -> (i32, i32) {
    %c0_i32 = arith.constant 0 : i32
    %c0_i32_0 = arith.constant 0 : i32
    return %arg0, %c0_i32 : i32, i32
  }
  func.func @transform_5(%arg0: i32) -> (i32, i32) {
    %c0_i32 = arith.constant 0 : i32
    %c0_i32_0 = arith.constant 0 : i32
    return %arg0, %c0_i32 : i32, i32
  }
  func.func @transform_6(%arg0: i32) -> (i32, i32) {
    %c0_i32 = arith.constant 0 : i32
    %c0_i32_0 = arith.constant 0 : i32
    return %arg0, %c0_i32 : i32, i32
  }
  func.func @transform_7(%arg0: i32) -> (i32, i32) {
    %c0_i32 = arith.constant 0 : i32
    %c0_i32_0 = arith.constant 0 : i32
    return %arg0, %c0_i32 : i32, i32
  }
  func.func @transform_8(%arg0: i32) -> (i32, i32) {
    %c0_i32 = arith.constant 0 : i32
    %c0_i32_0 = arith.constant 0 : i32
    return %arg0, %c0_i32 : i32, i32
  }
}

module attributes {stable_mosaic.version = 14 : i64} {
  func.func @_topk_kernel(%arg0: i32, %arg1: memref<8x100000xf32, #tpu.memory_space<vmem>>, %arg2: memref<8x10xi32, #tpu.memory_space<vmem>>, %arg3: memref<8x100000xf32, #tpu.memory_space<vmem>>) attributes {dimension_semantics = [#tpu.dimension_semantics<arbitrary>], iteration_bounds = array<i64: 32>, scalar_prefetch = 0 : i64, scratch_operands = 1 : i64, tpu.core_type = #tpu.core_type<tc>, window_params = [{transform_indices = @transform_0, window_bounds = array<i64: 8, 100000>}, {transform_indices = @transform_1, window_bounds = array<i64: 8, 10>}]} {
    %get3A = arith.constant 0 : index
    %get3A_0 = arith.constant 0 : index
    %get3A_1 = vector.load %arg1[%get3A, %get3A_0] : memref<8x100000xf32, #tpu.memory_space<vmem>>, vector<8x100000xf32>
    %swap3A = arith.constant 0 : index
    %swap3A_2 = arith.constant 0 : index
    %swap3A_3 = vector.load %arg3[%swap3A, %swap3A_2] : memref<8x100000xf32, #tpu.memory_space<vmem>>, vector<8x100000xf32>
    tpu.vector_store %arg3[%swap3A, %swap3A_2], %get3A_1 {strides = array<i32>} : memref<8x100000xf32, #tpu.memory_space<vmem>>, vector<8x100000xf32>,
    %iota3A = tpu.iota {dimensions = array<i32: 1>} : vector<8x100000xi32>
    %get3A_4 = arith.constant 0 : index
    %get3A_5 = arith.constant 0 : index
    %get3A_6 = vector.load %arg3[%get3A_4, %get3A_5] : memref<8x100000xf32, #tpu.memory_space<vmem>>, vector<8x100000xf32>
    %reduce_max3A = arith.constant dense<0xFF800000> : vector<8xf32>
    %reduce_max3A_7 = vector.multi_reduction <maximumf>, %get3A_6, %reduce_max3A [1] : vector<8x100000xf32> to vector<8xf32>
    %broadcast_in_dim3A = vector.shape_cast %reduce_max3A_7 : vector<8xf32> to vector<8x1xf32>
    %eq3A = vector.broadcast %broadcast_in_dim3A : vector<8x1xf32> to vector<8x100000xf32>
    %eq3A_8 = arith.cmpf oeq, %get3A_6, %eq3A : vector<8x100000xf32>
    %jit3A = arith.constant 100000 : i32
    %broadcast_in_dim3A_9 = vector.broadcast %jit3A : i32 to vector<8x100000xi32>
    %select_n3A = arith.select %eq3A_8, %iota3A, %broadcast_in_dim3A_9 : vector<8x100000xi1>, vector<8x100000xi32>
    %reduce_min3A = arith.constant dense<2147483647> : vector<8xi32>
    %reduce_min3A_10 = vector.multi_reduction <minsi>, %select_n3A, %reduce_min3A [1] : vector<8x100000xi32> to vector<8xi32>
    %broadcast_in_dim3A_11 = vector.shape_cast %reduce_min3A_10 : vector<8xi32> to vector<8x1xi32>
    %swap3A_12 = arith.constant 0 : index
    %swap3A_13 = arith.constant 0 : index
    %swap3A_14 = vector.load %arg2[%swap3A_12, %swap3A_13] : memref<8x10xi32, #tpu.memory_space<vmem>>, vector<8x1xi32>
    tpu.vector_store %arg2[%swap3A_12, %swap3A_13], %broadcast_in_dim3A_11 {strides = array<i32>} : memref<8x10xi32, #tpu.memory_space<vmem>>, vector<8x1xi32>,
    %eq3A_15 = vector.broadcast %broadcast_in_dim3A_11 : vector<8x1xi32> to vector<8x100000xi32>
    %eq3A_16 = arith.cmpi eq, %iota3A, %eq3A_15 : vector<8x100000xi32>
    %jit3A_17 = arith.constant 0xFF800000 : f32
    %broadcast_in_dim3A_18 = vector.broadcast %jit3A_17 : f32 to vector<8x100000xf32>
    %select_n3A_19 = arith.select %eq3A_16, %broadcast_in_dim3A_18, %get3A_6 : vector<8x100000xi1>, vector<8x100000xf32>
    %swap3A_20 = arith.constant 0 : index
    %swap3A_21 = arith.constant 0 : index
    %swap3A_22 = vector.load %arg3[%swap3A_20, %swap3A_21] : memref<8x100000xf32, #tpu.memory_space<vmem>>, vector<8x100000xf32>
    tpu.vector_store %arg3[%swap3A_20, %swap3A_21], %select_n3A_19 {strides = array<i32>} : memref<8x100000xf32, #tpu.memory_space<vmem>>, vector<8x100000xf32>,
    %get3A_23 = arith.constant 0 : index
    %get3A_24 = arith.constant 0 : index
    %get3A_25 = vector.load %arg3[%get3A_23, %get3A_24] : memref<8x100000xf32, #tpu.memory_space<vmem>>, vector<8x100000xf32>
    %reduce_max3A_26 = arith.constant dense<0xFF800000> : vector<8xf32>
    %reduce_max3A_27 = vector.multi_reduction <maximumf>, %get3A_25, %reduce_max3A_26 [1] : vector<8x100000xf32> to vector<8xf32>
    %broadcast_in_dim3A_28 = vector.shape_cast %reduce_max3A_27 : vector<8xf32> to vector<8x1xf32>
    %eq3A_29 = vector.broadcast %broadcast_in_dim3A_28 : vector<8x1xf32> to vector<8x100000xf32>
    %eq3A_30 = arith.cmpf oeq, %get3A_25, %eq3A_29 : vector<8x100000xf32>
    %jit3A_31 = arith.constant 100000 : i32
    %broadcast_in_dim3A_32 = vector.broadcast %jit3A_31 : i32 to vector<8x100000xi32>
    %select_n3A_33 = arith.select %eq3A_30, %iota3A, %broadcast_in_dim3A_32 : vector<8x100000xi1>, vector<8x100000xi32>
    %reduce_min3A_34 = arith.constant dense<2147483647> : vector<8xi32>
    %reduce_min3A_35 = vector.multi_reduction <minsi>, %select_n3A_33, %reduce_min3A_34 [1] : vector<8x100000xi32> to vector<8xi32>
    %broadcast_in_dim3A_36 = vector.shape_cast %reduce_min3A_35 : vector<8xi32> to vector<8x1xi32>
    %swap3A_37 = arith.constant 0 : index
    %swap3A_38 = arith.constant 1 : index
    %swap3A_39 = vector.load %arg2[%swap3A_37, %swap3A_38] : memref<8x10xi32, #tpu.memory_space<vmem>>, vector<8x1xi32>
    tpu.vector_store %arg2[%swap3A_37, %swap3A_38], %broadcast_in_dim3A_36 {strides = array<i32>} : memref<8x10xi32, #tpu.memory_space<vmem>>, vector<8x1xi32>,
    %eq3A_40 = vector.broadcast %broadcast_in_dim3A_36 : vector<8x1xi32> to vector<8x100000xi32>
    %eq3A_41 = arith.cmpi eq, %iota3A, %eq3A_40 : vector<8x100000xi32>
    %jit3A_42 = arith.constant 0xFF800000 : f32
    %broadcast_in_dim3A_43 = vector.broadcast %jit3A_42 : f32 to vector<8x100000xf32>
    %select_n3A_44 = arith.select %eq3A_41, %broadcast_in_dim3A_43, %get3A_25 : vector<8x100000xi1>, vector<8x100000xf32>
    %swap3A_45 = arith.constant 0 : index
    %swap3A_46 = arith.constant 0 : index
    %swap3A_47 = vector.load %arg3[%swap3A_45, %swap3A_46] : memref<8x100000xf32, #tpu.memory_space<vmem>>, vector<8x100000xf32>
    tpu.vector_store %arg3[%swap3A_45, %swap3A_46], %select_n3A_44 {strides = array<i32>} : memref<8x100000xf32, #tpu.memory_space<vmem>>, vector<8x100000xf32>,
    %get3A_48 = arith.constant 0 : index
    %get3A_49 = arith.constant 0 : index
    %get3A_50 = vector.load %arg3[%get3A_48, %get3A_49] : memref<8x100000xf32, #tpu.memory_space<vmem>>, vector<8x100000xf32>
    %reduce_max3A_51 = arith.constant dense<0xFF800000> : vector<8xf32>
    %reduce_max3A_52 = vector.multi_reduction <maximumf>, %get3A_50, %reduce_max3A_51 [1] : vector<8x100000xf32> to vector<8xf32>
    %broadcast_in_dim3A_53 = vector.shape_cast %reduce_max3A_52 : vector<8xf32> to vector<8x1xf32>
    %eq3A_54 = vector.broadcast %broadcast_in_dim3A_53 : vector<8x1xf32> to vector<8x100000xf32>
    %eq3A_55 = arith.cmpf oeq, %get3A_50, %eq3A_54 : vector<8x100000xf32>
    %jit3A_56 = arith.constant 100000 : i32
    %broadcast_in_dim3A_57 = vector.broadcast %jit3A_56 : i32 to vector<8x100000xi32>
    %select_n3A_58 = arith.select %eq3A_55, %iota3A, %broadcast_in_dim3A_57 : vector<8x100000xi1>, vector<8x100000xi32>
    %reduce_min3A_59 = arith.constant dense<2147483647> : vector<8xi32>
    %reduce_min3A_60 = vector.multi_reduction <minsi>, %select_n3A_58, %reduce_min3A_59 [1] : vector<8x100000xi32> to vector<8xi32>
    %broadcast_in_dim3A_61 = vector.shape_cast %reduce_min3A_60 : vector<8xi32> to vector<8x1xi32>
    %swap3A_62 = arith.constant 0 : index
    %swap3A_63 = arith.constant 2 : index
    %swap3A_64 = vector.load %arg2[%swap3A_62, %swap3A_63] : memref<8x10xi32, #tpu.memory_space<vmem>>, vector<8x1xi32>
    tpu.vector_store %arg2[%swap3A_62, %swap3A_63], %broadcast_in_dim3A_61 {strides = array<i32>} : memref<8x10xi32, #tpu.memory_space<vmem>>, vector<8x1xi32>,
    %eq3A_65 = vector.broadcast %broadcast_in_dim3A_61 : vector<8x1xi32> to vector<8x100000xi32>
    %eq3A_66 = arith.cmpi eq, %iota3A, %eq3A_65 : vector<8x100000xi32>
    %jit3A_67 = arith.constant 0xFF800000 : f32
    %broadcast_in_dim3A_68 = vector.broadcast %jit3A_67 : f32 to vector<8x100000xf32>
    %select_n3A_69 = arith.select %eq3A_66, %broadcast_in_dim3A_68, %get3A_50 : vector<8x100000xi1>, vector<8x100000xf32>
    %swap3A_70 = arith.constant 0 : index
    %swap3A_71 = arith.constant 0 : index
    %swap3A_72 = vector.load %arg3[%swap3A_70, %swap3A_71] : memref<8x100000xf32, #tpu.memory_space<vmem>>, vector<8x100000xf32>
    tpu.vector_store %arg3[%swap3A_70, %swap3A_71], %select_n3A_69 {strides = array<i32>} : memref<8x100000xf32, #tpu.memory_space<vmem>>, vector<8x100000xf32>,
    %get3A_73 = arith.constant 0 : index
    %get3A_74 = arith.constant 0 : index
    %get3A_75 = vector.load %arg3[%get3A_73, %get3A_74] : memref<8x100000xf32, #tpu.memory_space<vmem>>, vector<8x100000xf32>
    %reduce_max3A_76 = arith.constant dense<0xFF800000> : vector<8xf32>
    %reduce_max3A_77 = vector.multi_reduction <maximumf>, %get3A_75, %reduce_max3A_76 [1] : vector<8x100000xf32> to vector<8xf32>
    %broadcast_in_dim3A_78 = vector.shape_cast %reduce_max3A_77 : vector<8xf32> to vector<8x1xf32>
    %eq3A_79 = vector.broadcast %broadcast_in_dim3A_78 : vector<8x1xf32> to vector<8x100000xf32>
    %eq3A_80 = arith.cmpf oeq, %get3A_75, %eq3A_79 : vector<8x100000xf32>
    %jit3A_81 = arith.constant 100000 : i32
    %broadcast_in_dim3A_82 = vector.broadcast %jit3A_81 : i32 to vector<8x100000xi32>
    %select_n3A_83 = arith.select %eq3A_80, %iota3A, %broadcast_in_dim3A_82 : vector<8x100000xi1>, vector<8x100000xi32>
    %reduce_min3A_84 = arith.constant dense<2147483647> : vector<8xi32>
    %reduce_min3A_85 = vector.multi_reduction <minsi>, %select_n3A_83, %reduce_min3A_84 [1] : vector<8x100000xi32> to vector<8xi32>
    %broadcast_in_dim3A_86 = vector.shape_cast %reduce_min3A_85 : vector<8xi32> to vector<8x1xi32>
    %swap3A_87 = arith.constant 0 : index
    %swap3A_88 = arith.constant 3 : index
    %swap3A_89 = vector.load %arg2[%swap3A_87, %swap3A_88] : memref<8x10xi32, #tpu.memory_space<vmem>>, vector<8x1xi32>
    tpu.vector_store %arg2[%swap3A_87, %swap3A_88], %broadcast_in_dim3A_86 {strides = array<i32>} : memref<8x10xi32, #tpu.memory_space<vmem>>, vector<8x1xi32>,
    %eq3A_90 = vector.broadcast %broadcast_in_dim3A_86 : vector<8x1xi32> to vector<8x100000xi32>
    %eq3A_91 = arith.cmpi eq, %iota3A, %eq3A_90 : vector<8x100000xi32>
    %jit3A_92 = arith.constant 0xFF800000 : f32
    %broadcast_in_dim3A_93 = vector.broadcast %jit3A_92 : f32 to vector<8x100000xf32>
    %select_n3A_94 = arith.select %eq3A_91, %broadcast_in_dim3A_93, %get3A_75 : vector<8x100000xi1>, vector<8x100000xf32>
    %swap3A_95 = arith.constant 0 : index
    %swap3A_96 = arith.constant 0 : index
    %swap3A_97 = vector.load %arg3[%swap3A_95, %swap3A_96] : memref<8x100000xf32, #tpu.memory_space<vmem>>, vector<8x100000xf32>
    tpu.vector_store %arg3[%swap3A_95, %swap3A_96], %select_n3A_94 {strides = array<i32>} : memref<8x100000xf32, #tpu.memory_space<vmem>>, vector<8x100000xf32>,
    %get3A_98 = arith.constant 0 : index
    %get3A_99 = arith.constant 0 : index
    %get3A_100 = vector.load %arg3[%get3A_98, %get3A_99] : memref<8x100000xf32, #tpu.memory_space<vmem>>, vector<8x100000xf32>
    %reduce_max3A_101 = arith.constant dense<0xFF800000> : vector<8xf32>
    %reduce_max3A_102 = vector.multi_reduction <maximumf>, %get3A_100, %reduce_max3A_101 [1] : vector<8x100000xf32> to vector<8xf32>
    %broadcast_in_dim3A_103 = vector.shape_cast %reduce_max3A_102 : vector<8xf32> to vector<8x1xf32>
    %eq3A_104 = vector.broadcast %broadcast_in_dim3A_103 : vector<8x1xf32> to vector<8x100000xf32>
    %eq3A_105 = arith.cmpf oeq, %get3A_100, %eq3A_104 : vector<8x100000xf32>
    %jit3A_106 = arith.constant 100000 : i32
    %broadcast_in_dim3A_107 = vector.broadcast %jit3A_106 : i32 to vector<8x100000xi32>
    %select_n3A_108 = arith.select %eq3A_105, %iota3A, %broadcast_in_dim3A_107 : vector<8x100000xi1>, vector<8x100000xi32>
    %reduce_min3A_109 = arith.constant dense<2147483647> : vector<8xi32>
    %reduce_min3A_110 = vector.multi_reduction <minsi>, %select_n3A_108, %reduce_min3A_109 [1] : vector<8x100000xi32> to vector<8xi32>
    %broadcast_in_dim3A_111 = vector.shape_cast %reduce_min3A_110 : vector<8xi32> to vector<8x1xi32>
    %swap3A_112 = arith.constant 0 : index
    %swap3A_113 = arith.constant 4 : index
    %swap3A_114 = vector.load %arg2[%swap3A_112, %swap3A_113] : memref<8x10xi32, #tpu.memory_space<vmem>>, vector<8x1xi32>
    tpu.vector_store %arg2[%swap3A_112, %swap3A_113], %broadcast_in_dim3A_111 {strides = array<i32>} : memref<8x10xi32, #tpu.memory_space<vmem>>, vector<8x1xi32>,
    %eq3A_115 = vector.broadcast %broadcast_in_dim3A_111 : vector<8x1xi32> to vector<8x100000xi32>
    %eq3A_116 = arith.cmpi eq, %iota3A, %eq3A_115 : vector<8x100000xi32>
    %jit3A_117 = arith.constant 0xFF800000 : f32
    %broadcast_in_dim3A_118 = vector.broadcast %jit3A_117 : f32 to vector<8x100000xf32>
    %select_n3A_119 = arith.select %eq3A_116, %broadcast_in_dim3A_118, %get3A_100 : vector<8x100000xi1>, vector<8x100000xf32>
    %swap3A_120 = arith.constant 0 : index
    %swap3A_121 = arith.constant 0 : index
    %swap3A_122 = vector.load %arg3[%swap3A_120, %swap3A_121] : memref<8x100000xf32, #tpu.memory_space<vmem>>, vector<8x100000xf32>
    tpu.vector_store %arg3[%swap3A_120, %swap3A_121], %select_n3A_119 {strides = array<i32>} : memref<8x100000xf32, #tpu.memory_space<vmem>>, vector<8x100000xf32>,
    %get3A_123 = arith.constant 0 : index
    %get3A_124 = arith.constant 0 : index
    %get3A_125 = vector.load %arg3[%get3A_123, %get3A_124] : memref<8x100000xf32, #tpu.memory_space<vmem>>, vector<8x100000xf32>
    %reduce_max3A_126 = arith.constant dense<0xFF800000> : vector<8xf32>
    %reduce_max3A_127 = vector.multi_reduction <maximumf>, %get3A_125, %reduce_max3A_126 [1] : vector<8x100000xf32> to vector<8xf32>
    %broadcast_in_dim3A_128 = vector.shape_cast %reduce_max3A_127 : vector<8xf32> to vector<8x1xf32>
    %eq3A_129 = vector.broadcast %broadcast_in_dim3A_128 : vector<8x1xf32> to vector<8x100000xf32>
    %eq3A_130 = arith.cmpf oeq, %get3A_125, %eq3A_129 : vector<8x100000xf32>
    %jit3A_131 = arith.constant 100000 : i32
    %broadcast_in_dim3A_132 = vector.broadcast %jit3A_131 : i32 to vector<8x100000xi32>
    %select_n3A_133 = arith.select %eq3A_130, %iota3A, %broadcast_in_dim3A_132 : vector<8x100000xi1>, vector<8x100000xi32>
    %reduce_min3A_134 = arith.constant dense<2147483647> : vector<8xi32>
    %reduce_min3A_135 = vector.multi_reduction <minsi>, %select_n3A_133, %reduce_min3A_134 [1] : vector<8x100000xi32> to vector<8xi32>
    %broadcast_in_dim3A_136 = vector.shape_cast %reduce_min3A_135 : vector<8xi32> to vector<8x1xi32>
    %swap3A_137 = arith.constant 0 : index
    %swap3A_138 = arith.constant 5 : index
    %swap3A_139 = vector.load %arg2[%swap3A_137, %swap3A_138] : memref<8x10xi32, #tpu.memory_space<vmem>>, vector<8x1xi32>
    tpu.vector_store %arg2[%swap3A_137, %swap3A_138], %broadcast_in_dim3A_136 {strides = array<i32>} : memref<8x10xi32, #tpu.memory_space<vmem>>, vector<8x1xi32>,
    %eq3A_140 = vector.broadcast %broadcast_in_dim3A_136 : vector<8x1xi32> to vector<8x100000xi32>
    %eq3A_141 = arith.cmpi eq, %iota3A, %eq3A_140 : vector<8x100000xi32>
    %jit3A_142 = arith.constant 0xFF800000 : f32
    %broadcast_in_dim3A_143 = vector.broadcast %jit3A_142 : f32 to vector<8x100000xf32>
    %select_n3A_144 = arith.select %eq3A_141, %broadcast_in_dim3A_143, %get3A_125 : vector<8x100000xi1>, vector<8x100000xf32>
    %swap3A_145 = arith.constant 0 : index
    %swap3A_146 = arith.constant 0 : index
    %swap3A_147 = vector.load %arg3[%swap3A_145, %swap3A_146] : memref<8x100000xf32, #tpu.memory_space<vmem>>, vector<8x100000xf32>
    tpu.vector_store %arg3[%swap3A_145, %swap3A_146], %select_n3A_144 {strides = array<i32>} : memref<8x100000xf32, #tpu.memory_space<vmem>>, vector<8x100000xf32>,
    %get3A_148 = arith.constant 0 : index
    %get3A_149 = arith.constant 0 : index
    %get3A_150 = vector.load %arg3[%get3A_148, %get3A_149] : memref<8x100000xf32, #tpu.memory_space<vmem>>, vector<8x100000xf32>
    %reduce_max3A_151 = arith.constant dense<0xFF800000> : vector<8xf32>
    %reduce_max3A_152 = vector.multi_reduction <maximumf>, %get3A_150, %reduce_max3A_151 [1] : vector<8x100000xf32> to vector<8xf32>
    %broadcast_in_dim3A_153 = vector.shape_cast %reduce_max3A_152 : vector<8xf32> to vector<8x1xf32>
    %eq3A_154 = vector.broadcast %broadcast_in_dim3A_153 : vector<8x1xf32> to vector<8x100000xf32>
    %eq3A_155 = arith.cmpf oeq, %get3A_150, %eq3A_154 : vector<8x100000xf32>
    %jit3A_156 = arith.constant 100000 : i32
    %broadcast_in_dim3A_157 = vector.broadcast %jit3A_156 : i32 to vector<8x100000xi32>
    %select_n3A_158 = arith.select %eq3A_155, %iota3A, %broadcast_in_dim3A_157 : vector<8x100000xi1>, vector<8x100000xi32>
    %reduce_min3A_159 = arith.constant dense<2147483647> : vector<8xi32>
    %reduce_min3A_160 = vector.multi_reduction <minsi>, %select_n3A_158, %reduce_min3A_159 [1] : vector<8x100000xi32> to vector<8xi32>
    %broadcast_in_dim3A_161 = vector.shape_cast %reduce_min3A_160 : vector<8xi32> to vector<8x1xi32>
    %swap3A_162 = arith.constant 0 : index
    %swap3A_163 = arith.constant 6 : index
    %swap3A_164 = vector.load %arg2[%swap3A_162, %swap3A_163] : memref<8x10xi32, #tpu.memory_space<vmem>>, vector<8x1xi32>
    tpu.vector_store %arg2[%swap3A_162, %swap3A_163], %broadcast_in_dim3A_161 {strides = array<i32>} : memref<8x10xi32, #tpu.memory_space<vmem>>, vector<8x1xi32>,
    %eq3A_165 = vector.broadcast %broadcast_in_dim3A_161 : vector<8x1xi32> to vector<8x100000xi32>
    %eq3A_166 = arith.cmpi eq, %iota3A, %eq3A_165 : vector<8x100000xi32>
    %jit3A_167 = arith.constant 0xFF800000 : f32
    %broadcast_in_dim3A_168 = vector.broadcast %jit3A_167 : f32 to vector<8x100000xf32>
    %select_n3A_169 = arith.select %eq3A_166, %broadcast_in_dim3A_168, %get3A_150 : vector<8x100000xi1>, vector<8x100000xf32>
    %swap3A_170 = arith.constant 0 : index
    %swap3A_171 = arith.constant 0 : index
    %swap3A_172 = vector.load %arg3[%swap3A_170, %swap3A_171] : memref<8x100000xf32, #tpu.memory_space<vmem>>, vector<8x100000xf32>
    tpu.vector_store %arg3[%swap3A_170, %swap3A_171], %select_n3A_169 {strides = array<i32>} : memref<8x100000xf32, #tpu.memory_space<vmem>>, vector<8x100000xf32>,
    %get3A_173 = arith.constant 0 : index
    %get3A_174 = arith.constant 0 : index
    %get3A_175 = vector.load %arg3[%get3A_173, %get3A_174] : memref<8x100000xf32, #tpu.memory_space<vmem>>, vector<8x100000xf32>
    %reduce_max3A_176 = arith.constant dense<0xFF800000> : vector<8xf32>
    %reduce_max3A_177 = vector.multi_reduction <maximumf>, %get3A_175, %reduce_max3A_176 [1] : vector<8x100000xf32> to vector<8xf32>
    %broadcast_in_dim3A_178 = vector.shape_cast %reduce_max3A_177 : vector<8xf32> to vector<8x1xf32>
    %eq3A_179 = vector.broadcast %broadcast_in_dim3A_178 : vector<8x1xf32> to vector<8x100000xf32>
    %eq3A_180 = arith.cmpf oeq, %get3A_175, %eq3A_179 : vector<8x100000xf32>
    %jit3A_181 = arith.constant 100000 : i32
    %broadcast_in_dim3A_182 = vector.broadcast %jit3A_181 : i32 to vector<8x100000xi32>
    %select_n3A_183 = arith.select %eq3A_180, %iota3A, %broadcast_in_dim3A_182 : vector<8x100000xi1>, vector<8x100000xi32>
    %reduce_min3A_184 = arith.constant dense<2147483647> : vector<8xi32>
    %reduce_min3A_185 = vector.multi_reduction <minsi>, %select_n3A_183, %reduce_min3A_184 [1] : vector<8x100000xi32> to vector<8xi32>
    %broadcast_in_dim3A_186 = vector.shape_cast %reduce_min3A_185 : vector<8xi32> to vector<8x1xi32>
    %swap3A_187 = arith.constant 0 : index
    %swap3A_188 = arith.constant 7 : index
    %swap3A_189 = vector.load %arg2[%swap3A_187, %swap3A_188] : memref<8x10xi32, #tpu.memory_space<vmem>>, vector<8x1xi32>
    tpu.vector_store %arg2[%swap3A_187, %swap3A_188], %broadcast_in_dim3A_186 {strides = array<i32>} : memref<8x10xi32, #tpu.memory_space<vmem>>, vector<8x1xi32>,
    %eq3A_190 = vector.broadcast %broadcast_in_dim3A_186 : vector<8x1xi32> to vector<8x100000xi32>
    %eq3A_191 = arith.cmpi eq, %iota3A, %eq3A_190 : vector<8x100000xi32>
    %jit3A_192 = arith.constant 0xFF800000 : f32
    %broadcast_in_dim3A_193 = vector.broadcast %jit3A_192 : f32 to vector<8x100000xf32>
    %select_n3A_194 = arith.select %eq3A_191, %broadcast_in_dim3A_193, %get3A_175 : vector<8x100000xi1>, vector<8x100000xf32>
    %swap3A_195 = arith.constant 0 : index
    %swap3A_196 = arith.constant 0 : index
    %swap3A_197 = vector.load %arg3[%swap3A_195, %swap3A_196] : memref<8x100000xf32, #tpu.memory_space<vmem>>, vector<8x100000xf32>
    tpu.vector_store %arg3[%swap3A_195, %swap3A_196], %select_n3A_194 {strides = array<i32>} : memref<8x100000xf32, #tpu.memory_space<vmem>>, vector<8x100000xf32>,
    %get3A_198 = arith.constant 0 : index
    %get3A_199 = arith.constant 0 : index
    %get3A_200 = vector.load %arg3[%get3A_198, %get3A_199] : memref<8x100000xf32, #tpu.memory_space<vmem>>, vector<8x100000xf32>
    %reduce_max3A_201 = arith.constant dense<0xFF800000> : vector<8xf32>
    %reduce_max3A_202 = vector.multi_reduction <maximumf>, %get3A_200, %reduce_max3A_201 [1] : vector<8x100000xf32> to vector<8xf32>
    %broadcast_in_dim3A_203 = vector.shape_cast %reduce_max3A_202 : vector<8xf32> to vector<8x1xf32>
    %eq3A_204 = vector.broadcast %broadcast_in_dim3A_203 : vector<8x1xf32> to vector<8x100000xf32>
    %eq3A_205 = arith.cmpf oeq, %get3A_200, %eq3A_204 : vector<8x100000xf32>
    %jit3A_206 = arith.constant 100000 : i32
    %broadcast_in_dim3A_207 = vector.broadcast %jit3A_206 : i32 to vector<8x100000xi32>
    %select_n3A_208 = arith.select %eq3A_205, %iota3A, %broadcast_in_dim3A_207 : vector<8x100000xi1>, vector<8x100000xi32>
    %reduce_min3A_209 = arith.constant dense<2147483647> : vector<8xi32>
    %reduce_min3A_210 = vector.multi_reduction <minsi>, %select_n3A_208, %reduce_min3A_209 [1] : vector<8x100000xi32> to vector<8xi32>
    %broadcast_in_dim3A_211 = vector.shape_cast %reduce_min3A_210 : vector<8xi32> to vector<8x1xi32>
    %swap3A_212 = arith.constant 0 : index
    %swap3A_213 = arith.constant 8 : index
    %swap3A_214 = vector.load %arg2[%swap3A_212, %swap3A_213] : memref<8x10xi32, #tpu.memory_space<vmem>>, vector<8x1xi32>
    tpu.vector_store %arg2[%swap3A_212, %swap3A_213], %broadcast_in_dim3A_211 {strides = array<i32>} : memref<8x10xi32, #tpu.memory_space<vmem>>, vector<8x1xi32>,
    %eq3A_215 = vector.broadcast %broadcast_in_dim3A_211 : vector<8x1xi32> to vector<8x100000xi32>
    %eq3A_216 = arith.cmpi eq, %iota3A, %eq3A_215 : vector<8x100000xi32>
    %jit3A_217 = arith.constant 0xFF800000 : f32
    %broadcast_in_dim3A_218 = vector.broadcast %jit3A_217 : f32 to vector<8x100000xf32>
    %select_n3A_219 = arith.select %eq3A_216, %broadcast_in_dim3A_218, %get3A_200 : vector<8x100000xi1>, vector<8x100000xf32>
    %swap3A_220 = arith.constant 0 : index
    %swap3A_221 = arith.constant 0 : index
    %swap3A_222 = vector.load %arg3[%swap3A_220, %swap3A_221] : memref<8x100000xf32, #tpu.memory_space<vmem>>, vector<8x100000xf32>
    tpu.vector_store %arg3[%swap3A_220, %swap3A_221], %select_n3A_219 {strides = array<i32>} : memref<8x100000xf32, #tpu.memory_space<vmem>>, vector<8x100000xf32>,
    %get3A_223 = arith.constant 0 : index
    %get3A_224 = arith.constant 0 : index
    %get3A_225 = vector.load %arg3[%get3A_223, %get3A_224] : memref<8x100000xf32, #tpu.memory_space<vmem>>, vector<8x100000xf32>
    %reduce_max3A_226 = arith.constant dense<0xFF800000> : vector<8xf32>
    %reduce_max3A_227 = vector.multi_reduction <maximumf>, %get3A_225, %reduce_max3A_226 [1] : vector<8x100000xf32> to vector<8xf32>
    %broadcast_in_dim3A_228 = vector.shape_cast %reduce_max3A_227 : vector<8xf32> to vector<8x1xf32>
    %eq3A_229 = vector.broadcast %broadcast_in_dim3A_228 : vector<8x1xf32> to vector<8x100000xf32>
    %eq3A_230 = arith.cmpf oeq, %get3A_225, %eq3A_229 : vector<8x100000xf32>
    %jit3A_231 = arith.constant 100000 : i32
    %broadcast_in_dim3A_232 = vector.broadcast %jit3A_231 : i32 to vector<8x100000xi32>
    %select_n3A_233 = arith.select %eq3A_230, %iota3A, %broadcast_in_dim3A_232 : vector<8x100000xi1>, vector<8x100000xi32>
    %reduce_min3A_234 = arith.constant dense<2147483647> : vector<8xi32>
    %reduce_min3A_235 = vector.multi_reduction <minsi>, %select_n3A_233, %reduce_min3A_234 [1] : vector<8x100000xi32> to vector<8xi32>
    %broadcast_in_dim3A_236 = vector.shape_cast %reduce_min3A_235 : vector<8xi32> to vector<8x1xi32>
    %swap3A_237 = arith.constant 0 : index
    %swap3A_238 = arith.constant 9 : index
    %swap3A_239 = vector.load %arg2[%swap3A_237, %swap3A_238] : memref<8x10xi32, #tpu.memory_space<vmem>>, vector<8x1xi32>
    tpu.vector_store %arg2[%swap3A_237, %swap3A_238], %broadcast_in_dim3A_236 {strides = array<i32>} : memref<8x10xi32, #tpu.memory_space<vmem>>, vector<8x1xi32>,
    %eq3A_240 = vector.broadcast %broadcast_in_dim3A_236 : vector<8x1xi32> to vector<8x100000xi32>
    %eq3A_241 = arith.cmpi eq, %iota3A, %eq3A_240 : vector<8x100000xi32>
    %jit3A_242 = arith.constant 0xFF800000 : f32
    %broadcast_in_dim3A_243 = vector.broadcast %jit3A_242 : f32 to vector<8x100000xf32>
    %select_n3A_244 = arith.select %eq3A_241, %broadcast_in_dim3A_243, %get3A_225 : vector<8x100000xi1>, vector<8x100000xf32>
    %swap3A_245 = arith.constant 0 : index
    %swap3A_246 = arith.constant 0 : index
    %swap3A_247 = vector.load %arg3[%swap3A_245, %swap3A_246] : memref<8x100000xf32, #tpu.memory_space<vmem>>, vector<8x100000xf32>
    tpu.vector_store %arg3[%swap3A_245, %swap3A_246], %select_n3A_244 {strides = array<i32>} : memref<8x100000xf32, #tpu.memory_space<vmem>>, vector<8x100000xf32>,
    return
  }
  func.func @transform_0(%arg0: i32) -> (i32, i32) {
    %c0_i32 = arith.constant 0 : i32
    %c0_i32_0 = arith.constant 0 : i32
    return %arg0, %c0_i32 : i32, i32
  }
  func.func @transform_1(%arg0: i32) -> (i32, i32) {
    %c0_i32 = arith.constant 0 : i32
    %c0_i32_0 = arith.constant 0 : i32
    return %arg0, %c0_i32 : i32, i32
  }
}

</mosaic_0001>

<sc_bundles>
// kernel: kernel.5.cloned.1.call-start
scs
__scs_entry_jumppad:
0x0: {  	(pc) =	sbr.rel $0x88, $3  }
0x1: {  	(tag) =	ssettag $0x0;
	lr =	simm.s32 $0x1  }
0x2: {  	[smem:$0x3F9A] =	sst lr;
	_ =	strace $0xD0000000  }
0x3: {  	_ = 	snop  }
0x4: {  	_ = 	snop  }
0x5: {  	_ = 	snop  }
0x6: {  	_ = 	snop  }
0x7: {  	_ = 	snop  }
__scs_overlays_trampoline_lowered:
0x8: {  	[smem:$0x3FA9] =	sst s0  }
0x9: {  	[smem:$0x3FAA] =	sst s1  }
0xa: {  	[smem:$0x3FAB] =	sst s2  }
0xb: {  	[smem:$0x3FAC] =	sst s3  }
0xc: {  	[smem:$0x3FAD] =	sst s4  }
0xd: {  	[smem:$0x3FAE] =	sst s5  }
0xe: {  	[smem:$0x3FAF] =	sst s6  }
0xf: {  	[smem:$0x3FB0] =	sst s7  }
0x10: {  	[smem:$0x3FB1] =	sst s8  }
0x11: {  	[smem:$0x3FB2] =	sst s9;
	s0 =	simm.s32 @!p0 $0x0  }
0x12: {  	s1 =	sld [smem:$0x3F98];
	s0 =	simm.s32 @p0 $0x1  }
0x13: {  	[smem:$0x3FB3] =	sst s0;
	s0 =	simm.s32 @!p1 $0x0  }
0x14: {  	s2 =	sld [smem:$0x3F97];
	s0 =	simm.s32 @p1 $0x1  }
0x15: {  	[smem:$0x3FB4] =	sst s0;
	s0 =	simm.s32 @!p2 $0x0  }
0x16: {  	s3 =	sld [smem:$0x3FDB];
	s0 =	simm.s32 @p2 $0x1  }
0x17: {  	s4 =	simm.s32 $0x1BF5;
	[smem:$0x3FB6] =	sst s0  }
0x18: {  	s0 =	sld [smem:$0x3F99];
	_ =	swait.ge [sflag:s4], $0x0  }
0x19: {  	s7 =	sld [smem:$0x3F9A]  }
0x1a: {  	s8 =	sadd.s32 $0xFFFFE003, lr  }
0x1b: {  	s9 =	sadd.s32 $0xFFFFFEF7, lr;
	s5 =	simm.s32 $0xFFFFFFFF;
	p2 =	slt.u32 s8, $0xFFFFF086  }
0x1c: {  	p1 =	slt.u32 s9, $0xF7A;
	s5 =	simm.s32 @!p2 $0x0  }
0x1d: {  	s5 =	simm.s32 @p1 $0x1;
	p0 =	seq.s32 s7, s2  }
0x1e: {  	s7 =	smul.u32 @!p0 $0xF7A, s2;
	p2 =	seq.s32 @!p0 s5, $0x0  }
0x1f: {  	s9 =	smul.u32 $0xF7A, s1;
	s8 =	simm.s32 @!p0 $0x1BF5;
	p2 =	por !p2, p0  }
0x20: {  	[sflag:s8] =	ssyncset.s32 @!p0 $0xFFFFF086;
	s6 =	sadd.s32 @!p0 s3, s7;
	s7 =	simm.s32 @!p0 $0x108  }
0x21: {  	s3 =	sadd.s32 s3, s9;
	s6 =	sadd.s32 @!p0 $0x88, s6;
	s7 =	simm.s32 @p2 $0x1082  }
0x22: {  	[simem:s7], [sflag:s8] =	dma.local @!p0 [hbm:s6], $0xF7A  }
0x23: {  	s9 =	sor.u32 $0xD0000000, s2;
	s6 =	simm.s32 $0x108;
	_ =	swait.ge @!p0 [sflag:s8], $0x0  }
0x24: {  	s3 =	sadd.s32 $0x88, s3;
	s6 =	simm.s32 @!p1 $0x1082;
	[sflag:s4] =	ssyncset.s32 $0xFFFFF086  }
0x25: {  	[simem:s6], [sflag:s4] =	dma.local [hbm:s3], $0xF7A  }
0x26: {  	[smem:$0x3F9A] =	sst s1;
	(tag) =	ssettag s2;
	_ =	strace s9  }
0x27: {  	s1 =	sld [smem:$0x3FAA]  }
0x28: {  	s2 =	sld [smem:$0x3FAB]  }
0x29: {  	s4 =	sld [smem:$0x3FAD]  }
0x2a: {  	p0 =	seq.s32 s5, $0x0;
	s5 =	sld [smem:$0x3FAE]  }
0x2b: {  	s6 =	sld [smem:$0x3FAF]  }
0x2c: {  	s7 =	sld [smem:$0x3FB0]  }
0x2d: {  	s3 =	simm.s32 $0x108;
	s8 =	sld [smem:$0x3FB1]  }
0x2e: {  	s3 =	simm.s32 @!p0 $0x1082;
	s9 =	sld [smem:$0x3FB2]  }
0x2f: {  	lr =	sadd.s32 s0, s3;
	s0 =	sld [smem:$0x3FA9]  }
0x30: {  	s3 =	sld [smem:$0x3FAC]  }
0x31: {  	[smem:$0x3FB5] =	sst s10  }
0x32: {  	s10 =	sld [smem:$0x3FB3];
	_ =	sdelay $0x3  }
0x33: {  	p0 =	seq.s32 s10, $0x1;
	s10 =	sld [smem:$0x3FB5];
	_ =	sdelay $0x3  }
0x34: {  	[smem:$0x3FB5] =	sst s10  }
0x35: {  	s10 =	sld [smem:$0x3FB4];
	_ =	sdelay $0x3  }
0x36: {  	p1 =	seq.s32 s10, $0x1;
	s10 =	sld [smem:$0x3FB5];
	_ =	sdelay $0x3  }
0x37: {  	[smem:$0x3FB5] =	sst s10  }
0x38: {  	s10 =	sld [smem:$0x3FB6]  }
0x39: {  	_ = 	snop;
	(pc) =	sbr.ind lr, $3  }
0x3a: {  	_ = 	snop  }
0x3b: {  	_ = 	snop  }
0x3c: {  	p2 =	seq.s32 s10, $0x1;
	s10 =	sld [smem:$0x3FB5]  }
0x3d: {  	_ =	shalt  }
0x3e: {  	_ =	shalt  }
0x3f: {  	_ =	shalt  }
0x40: {  	_ =	shalt  }
0x41: {  	_ =	shalt  }
0x42: {  	_ =	shalt  }
0x43: {  	_ =	shalt  }
0x44: {  	_ =	shalt  }
0x45: {  	_ =	shalt  }
0x46: {  	_ =	shalt  }
0x47: {  	_ =	shalt  }
0x48: {  	_ =	shalt  }
0x49: {  	_ =	shalt  }
0x4a: {  	_ =	shalt  }
0x4b: {  	_ =	shalt  }
0x4c: {  	_ =	shalt  }
0x4d: {  	_ =	shalt  }
0x4e: {  	_ =	shalt  }
0x4f: {  	_ =	shalt  }
0x50: {  	_ =	shalt  }
0x51: {  	_ =	shalt  }
0x52: {  	_ =	shalt  }
0x53: {  	_ =	shalt  }
0x54: {  	_ =	shalt  }
0x55: {  	_ =	shalt  }
0x56: {  	_ =	shalt  }
0x57: {  	_ =	shalt  }
0x58: {  	_ =	shalt  }
0x59: {  	_ =	shalt  }
0x5a: {  	_ =	shalt  }
0x5b: {  	_ =	shalt  }
0x5c: {  	_ =	shalt  }
0x5d: {  	_ =	shalt  }
0x5e: {  	_ =	shalt  }
0x5f: {  	_ =	shalt  }
0x60: {  	_ =	shalt  }
0x61: {  	_ =	shalt  }
0x62: {  	_ =	shalt  }
0x63: {  	_ =	shalt  }
0x64: {  	_ =	shalt  }
0x65: {  	_ =	shalt  }
0x66: {  	_ =	shalt  }
0x67: {  	_ =	shalt  }
0x68: {  	_ =	shalt  }
0x69: {  	_ =	shalt  }
0x6a: {  	_ =	shalt  }
0x6b: {  	_ =	shalt  }
0x6c: {  	_ =	shalt  }
0x6d: {  	_ =	shalt  }
0x6e: {  	_ =	shalt  }
0x6f: {  	_ =	shalt  }
0x70: {  	_ =	shalt  }
0x71: {  	_ =	shalt  }
0x72: {  	_ =	shalt  }
0x73: {  	_ =	shalt  }
0x74: {  	_ =	shalt  }
0x75: {  	_ =	shalt  }
0x76: {  	_ =	shalt  }
0x77: {  	_ =	shalt  }
0x78: {  	_ =	shalt  }
0x79: {  	_ =	shalt  }
0x7a: {  	_ =	shalt  }
0x7b: {  	_ =	shalt  }
0x7c: {  	_ =	shalt  }
0x7d: {  	_ =	shalt  }
0x7e: {  	_ =	shalt  }
0x7f: {  	_ =	shalt  }
0x80: {  	_ =	shalt  }
0x81: {  	_ =	shalt  }
0x82: {  	_ =	shalt  }
0x83: {  	_ =	shalt  }
0x84: {  	_ =	shalt  }
0x85: {  	_ =	shalt  }
0x86: {  	_ =	shalt  }
0x87: {  	_ =	shalt  }
.Lfunc_end0:
.L_simem_size_0:
called_computation.1_lowered:
.L_overlay_start_0:
0x88: {  	s2 =	sld [smem:$0x3FD9]  }
0x89: {  	s3 =	sld [smem:$0x3FFE];
	_ =	sdelay $0x1  }
0x8a: {  	s1 =	srdreg.scid  }
0x8b: {  	s0 =	sand.u32 $0x1, s1  }
0x8c: {  	s14 =	sshll.u32 s0, $0xA;
	s2 =	sadd.s32 s3, s2  }
0x8d: {  	s2 =	sadd.s32 s2, s14  }
0x8e: {  	[smem:$0x3FC1] =	sst s2  }
0x8f: {  	_ = 	snop  }
0x90: {  	s2 =	sld [smem:$0x3FD0];
	_ =	sdelay $0x2  }
0x91: {  	s4 =	simm.s32 $0xA;
	s5 =	simm.s32 $0x10;
	s15 =	sld [smem:$0x3FC8]  }
0x92: {  	[smem:s5], [sflag:s4] =	dma.local [hbm:s2], $0x1  }
0x93: {  	_ =	swait.eq [sflag:s4], $0x1  }
0x94: {  	[sflag:s4] =	ssyncset.done $0x0  }
0x95: {  	[sflag:s4] =	ssyncadd.s32 $0xFFFFFFFF  }
0x96: {  	s16 =	sld [smem:$0x11];
	(tm) =	ssettm $0x1  }
0x97: {  	s17 =	sld [smem:$0x3FFB];
	_ =	sdelay $0x3  }
0x98: {  	_ =	strace s17  }
0x99: {  	s4 =	sld [smem:$0x3FFC];
	_ =	sdelay $0x3  }
0x9a: {  	_ =	strace s4  }
0x9b: {  	s4 =	sld [smem:$0x3FFD];
	_ =	sdelay $0x3  }
0x9c: {  	_ =	strace s4  }
0x9d: {  	_ =	strace $0x8FFFFFFF  }
0x9e: {  	s18 =	sld [smem:$0x3FDB];
	_ =	sdelay $0x1  }
0x9f: {  	s19 =	simm.s32 $_scs_section_size  }
0xa0: {  	s6 =	simm.s32 $_size__tile_overlayer_lowered;
	s7 =	simm.s32 $_tile_overlayer_lowered  }
0xa1: {  	s22 =	simm.s32 $0x1BFF;
	s21 =	sshll.u32 s7, $0x1;
	s4 =	sadd.s32 s19, s18  }
0xa2: {  	s8 =	simm.s32 $0x0;
	s20 =	sshll.u32 s6, $0x1;
	s6 =	sadd.s32 s21, s4  }
0xa3: {  	[timem:s8], [sflag:s22] =	dma.local [hbm:s6], s20  }
0xa4: {  	_ =	swait.ge [sflag:s22], s20  }
0xa5: {  	s5 =	ssub.s32 $0x0, s20;
	[sflag:s22] =	ssyncset.done $0x0  }
0xa6: {  	[sflag:s22] =	ssyncadd.s32 s5;
	_ =	sdelay $0x1  }
0xa7: {  	s23 =	simm.s32 $0x1B8B  }
0xa8: {  	_ =	swait.ge [sflag:s23], $0x1  }
0xa9: {  	[sflag:s23] =	ssyncset.done $0x0  }
0xaa: {  	s25 =	simm.s32 $0x1B8E;
	s24 =	sld [smem:$0x3FFE];
	[sflag:s23] =	ssyncadd.s32 $0xFFFFFFFF  }
0xab: {  	s26 =	simm.s32 $execute0_lowered;
	[smem:$0x3FD2] =	sst s25  }
0xac: {  	s6 =	sshll.u32 s26, $0x1;
	_ =	strace $0x80000046;
	[dreg:$0x1] =	wrdreg $0xFFFFFFFF  }
0xad: {  	s28 =	simm.s32 $_size_execute0_lowered;
	s4 =	sadd.s32 s4, s6;
	[dreg:$0x0] =	wrdreg $0x0  }
0xae: {  	s6 =	sshll.u32 s28, $0x1;
	[dreg:$0x2] =	wrdreg s4  }
0xaf: {  	[dreg:$0x3] =	wrdreg s6  }
0xb0: {  	[dreg:$0x4] =	wrdreg $0xC0  }
0xb1: {  	_ =	task [dreg:s8], $0x5FFFF  }
0xb2: {  	[dreg:$0x1] =	wrdreg $0xFFFFFFFF  }
0xb3: {  	[dreg:$0x0] =	wrdreg $0x60  }
0xb4: {  	[dreg:$0x2] =	wrdreg s15  }
0xb5: {  	[dreg:$0x3] =	wrdreg s24  }
0xb6: {  	[dreg:$0x4] =	wrdreg s16  }
0xb7: {  	[dreg:$0x5] =	wrdreg $0x9  }
0xb8: {  	_ =	task.clear_ibuf [dreg:s8], $0x6FFFF;
	_ =	strace $0x90000046  }
0xb9: {  	s29 =	simm.s32 $0x9;
	_ =	strace $0x80000048  }
0xba: {  	_ =	swait.ge [sflag:s29], $0x1  }
0xbb: {  	[sflag:s29] =	ssyncadd.s32 $0xFFFFFFFF  }
0xbc: {  	_ =	strace $0x90000048  }
0xbd: {  	_ =	sfence  }
0xbe: {  	s30 =	sld [smem:$0x0];
	_ =	sdelay $0x2  }
0xbf: {  	s31 =	sshll.u32 s1, $0xD;
	s1 =	sshrl.u32 s1, $0x2  }
0xc0: {  	s3 =	sand.u32 $0x4000, s31;
	s1 =	sadd.s32 s1, s30  }
0xc1: {  	s0 =	sor.u32 s3, s0;
	s1 =	sshll.u32 s1, $0x11  }
0xc2: {  	s0 =	sor.u32 s1, s0  }
0xc3: {  	s0 =	sadd.s32 $0x8F2B, s0  }
0xc4: {  	[sflag:s0] =	ssyncadd.remote.s32 $0x1  }
0xc5: {  	_ =	sfence.sel $0xFFFF  }
0xc6: {  	[dreg:$0x0] =	wrdreg $0xFFFFFFFF;
	(pc) =	sbr.abs _section_cstart, $3  }
0xc7: {  	[dreg:$0x1] =	wrdreg $0xFFFFFFFF  }
0xc8: {  	_ =	task.clear_ibuf [dreg:s8], $0x2FFFF;
	_ =	strace $0x9FFFFFFF  }
0xc9: {  	(tm) =	ssettm $0x7FFFFFFF  }
tec
execute0_lowered:
.L_overlay_start_1:
0x0: {  	(tag) =	ssettag $0x1  }
0x1: {  	s1 =	srdreg.scid;
	s0 =	stileid.u32  }
0x2: {  	s2 =	rddreg [dreg:$0x0];
	s6 =	sand.u32 $0x1, s1;
	s30 =	sshll.u32 s0, $0x1  }
0x3: {  	s4 =	rddreg [dreg:$0x1];
	s9 =	sor.u32 s6, s30  }
0x4: {  	s10 =	rddreg [dreg:$0x2];
	s3 =	simm.s32 $0x0;
	s5 =	smul.u32 $0xA, s9  }
0x5: {  	[smem:$0x7FF] =	sst s3  }
0x6: {  	s1 =	rddreg [dreg:$0x3];
	_ =	strace $0x80000047;
	s4 =	sadd.s32 s5, s4  }
0x7: {  	s11 =	ssub.s32 $0x2, s6;
	s5 =	sadd.s32 $0x1200, s4;
	s4 =	simm.s32 $0x2  }
0x8: {  	[tilespmem:s3], [sflag:$0x2] =	stream.linear.gather [hbm4b:s5+s3], $0x50, $0x38;
	[tilespmem:$0x2880] =	vst v63  }
0x9: {  	s7 =	simm.s32 $0x80;
	s12 =	sshrl.u32 s11, $0x1;
	_ =	swait.ge [sflag:s4], $0x50  }
0xa: {  	s8 =	simm.s32 $0x1;
	s11 =	ssub.s32 s11, s12;
	[sflag:s4] =	ssyncset.done $0x0  }
0xb: {  	s6 =	simm.s32 $0x50;
	s31 =	smax.u32 s11, $0x1;
	[sflag:s4] =	ssyncadd.s32 $0xFFFFFFB0  }
0xc: {  	[tilespmem:s7], [sflag:$0x1] =	stream.indirect.gather [hbm4b:s2+s6], $0x80, s3, s6, $0xb8;
	[tilespmem:$0x2880] =	vst v63  }
0xd: {  	s9 =	smul.u32 $0x500, s9;
	p0 =	sne.s32 s31, $0x1;
	_ =	swait.ge [sflag:s8], $0x2800  }
.Ltmp0:
0xe: {  	[sflag:s8] =	ssyncset.done $0x0;
	(pc) =	sbr.rel @!p0 .LBB2_2-.Ltmp0, $4  }
0xf: {  	s9 =	sadd.s32 s10, s9;
	[sflag:s8] =	ssyncadd.s32 $0xFFFFD800  }
0x10: {  	[hbm4b:s9+s3] =	stream.linear.scatter [tilespmem:s7], [sflag:$0x2], $0x2800, $0x38;
	[tilespmem:$0x2880] =	vst v63  }
0x11: {  	_ =	swait.ge [sflag:s4], $0x2800  }
0x12: {  	s10 =	sadd.s32 $0xFFFFFFFF, s31;
	[sflag:s4] =	ssyncset.done $0x0  }
.LBB2_1:
0x13: {  	p0 =	sne.s32 s10, $0x1;
	s10 =	sadd.s32 $0xFFFFFFFF, s10;
	[sflag:s4] =	ssyncadd.s32 $0xFFFFD800  }
0x14: {  	[tilespmem:s3], [sflag:$0x2] =	stream.linear.gather [hbm4b:s5+s3], $0x50, $0x38;
	[tilespmem:$0x2880] =	vst v63  }
0x15: {  	_ =	swait.ge [sflag:s4], $0x50  }
0x16: {  	[sflag:s4] =	ssyncset.done $0x0  }
0x17: {  	[sflag:s4] =	ssyncadd.s32 $0xFFFFFFB0  }
0x18: {  	[tilespmem:s7], [sflag:$0x1] =	stream.indirect.gather [hbm4b:s2+s6], $0x80, s3, s6, $0xb8;
	[tilespmem:$0x2880] =	vst v63  }
0x19: {  	_ =	swait.ge [sflag:s8], $0x2800  }
.Ltmp1:
0x1a: {  	[sflag:s8] =	ssyncset.done $0x0;
	(pc) =	sbr.rel @p0 .LBB2_1-.Ltmp1, $4  }
0x1b: {  	[sflag:s8] =	ssyncadd.s32 $0xFFFFD800  }
0x1c: {  	[hbm4b:s9+s3] =	stream.linear.scatter [tilespmem:s7], [sflag:$0x2], $0x2800, $0x38;
	[tilespmem:$0x2880] =	vst v63  }
0x1d: {  	_ =	swait.ge [sflag:s4], $0x2800  }
0x1e: {  	[sflag:s4] =	ssyncset.done $0x0  }
.LBB2_2:
0x1f: {  	[sflag:s4] =	ssyncadd.s32 $0xFFFFD800  }
0x20: {  	_ =	sfence.sel $0x180000  }
0x21: {  	[bflag:$0x0] =	sbarrier.arrive $0xFFFF  }
0x22: {  	p0 =	sne.s32 s0, $0x0;
	_ =	strace $0x90000047  }
0x23: {  	s0 =	sadd.s32 @!p0 $0x100000, s1;
	[bflag:$0x2] =	sbarrier.arrive $0xFFFF  }
0x24: {  	[sflag:s0] =	ssyncadd.tile.s32 @!p0 $0x1;
	_ =	shalt  }
.Lfunc_end2:
_tile_overlayer_lowered:
.L_overlay_start_2:
0x25: {  	(tag) =	ssettag $0x2  }
0x26: {  	s0 =	rddreg [dreg:$0x0];
	s2 =	stileid.u32  }
0x27: {  	s1 =	rddreg [dreg:$0x1];
	p0 =	sne.s32 s2, $0x0  }
0x28: {  	s3 =	rddreg [dreg:$0x2];
	[bflag:$0x3] =	sbarrier.arrive $0xFFFF;
	s2 =	simm.s32 @!p0 $0x1C02  }
0x29: {  	[timem:s3], [sflag:s2] =	dma.local @!p0 [hbm:s0], s1  }
0x2a: {  	s0 =	simm.s32 @!p0 $0x2  }
0x2b: {  	_ =	swait.ge @!p0 [sflag:s0], s1  }
0x2c: {  	s1 =	ssub.s32 @!p0 $0x0, s1;
	[sflag:s0] =	ssyncset.done @!p0 $0x0  }
0x2d: {  	[sflag:s0] =	ssyncadd.s32 @!p0 s1  }
0x2e: {  	[bflag:$0x3] =	sbarrier.arrive $0xFFFF  }
0x2f: {  	_ =	shalt  }

// kernel: sparse-core-data-format-call.cloned.1.call-start
scs
called_computation_lowered:
.L_overlay_start_0:
0x0: {  	s2 =	sld [smem:$0x3FD9]  }
0x1: {  	s3 =	sld [smem:$0x3FFE];
	_ =	sdelay $0x1  }
0x2: {  	s1 =	srdreg.scid  }
0x3: {  	s0 =	sand.u32 $0x1, s1  }
0x4: {  	s15 =	sshll.u32 s0, $0xA;
	s2 =	sadd.s32 s3, s2  }
0x5: {  	s2 =	sadd.s32 s2, s15  }
0x6: {  	[smem:$0x3FC1] =	sst s2  }
0x7: {  	_ = 	snop  }
0x8: {  	s2 =	sld [smem:$0x3FD0];
	_ =	sdelay $0x2  }
0x9: {  	s16 =	simm.s32 $0xA;
	s4 =	simm.s32 $0x10  }
0xa: {  	[smem:s4], [sflag:s16] =	dma.local [hbm:s2], $0x1  }
0xb: {  	_ =	swait.eq [sflag:s16], $0x1  }
0xc: {  	[sflag:s16] =	ssyncset.done $0x0  }
0xd: {  	[sflag:s16] =	ssyncadd.s32 $0xFFFFFFFF  }
0xe: {  	s17 =	sld [smem:$0x11];
	(tm) =	ssettm $0x1  }
0xf: {  	s18 =	sld [smem:$0x3FFB];
	_ =	sdelay $0x3  }
0x10: {  	_ =	strace s18  }
0x11: {  	s3 =	sld [smem:$0x3FFC];
	_ =	sdelay $0x3  }
0x12: {  	_ =	strace s3  }
0x13: {  	s3 =	sld [smem:$0x3FFD];
	_ =	sdelay $0x3  }
0x14: {  	_ =	strace s3  }
0x15: {  	_ =	strace $0x8FFFFFFF  }
0x16: {  	s19 =	sld [smem:$0x3FDB];
	_ =	sdelay $0x1  }
0x17: {  	s20 =	simm.s32 $_scs_section_size  }
0x18: {  	s5 =	simm.s32 $_size__tile_overlayer_lowered;
	s6 =	simm.s32 $_tile_overlayer_lowered  }
0x19: {  	s23 =	simm.s32 $0x1BFF;
	s22 =	sshll.u32 s6, $0x1;
	s3 =	sadd.s32 s20, s19  }
0x1a: {  	s7 =	simm.s32 $0x0;
	s21 =	sshll.u32 s5, $0x1;
	s5 =	sadd.s32 s22, s3  }
0x1b: {  	[timem:s7], [sflag:s23] =	dma.local [hbm:s5], s21  }
0x1c: {  	_ =	swait.ge [sflag:s23], s21  }
0x1d: {  	s4 =	ssub.s32 $0x0, s21;
	[sflag:s23] =	ssyncset.done $0x0  }
0x1e: {  	[sflag:s23] =	ssyncadd.s32 s4;
	_ =	sdelay $0x1  }
0x1f: {  	s24 =	simm.s32 $0x1B8B  }
0x20: {  	_ =	swait.ge [sflag:s24], $0x1  }
0x21: {  	[sflag:s24] =	ssyncset.done $0x0  }
0x22: {  	s26 =	simm.s32 $0x1B8E;
	s25 =	sld [smem:$0x3FFE];
	[sflag:s24] =	ssyncadd.s32 $0xFFFFFFFF  }
0x23: {  	s27 =	simm.s32 $execute0_lowered;
	[smem:$0x3FD2] =	sst s26  }
0x24: {  	s5 =	sshll.u32 s27, $0x1;
	_ =	strace $0x80000049;
	[dreg:$0x1] =	wrdreg $0xFFFFFFFF  }
0x25: {  	s28 =	simm.s32 $_size_execute0_lowered;
	s3 =	sadd.s32 s3, s5;
	[dreg:$0x0] =	wrdreg $0x0  }
0x26: {  	s5 =	sshll.u32 s28, $0x1;
	[dreg:$0x2] =	wrdreg s3  }
0x27: {  	[dreg:$0x3] =	wrdreg s5  }
0x28: {  	[dreg:$0x4] =	wrdreg $0xC0  }
0x29: {  	_ =	task [dreg:s7], $0x5FFFF  }
0x2a: {  	[dreg:$0x1] =	wrdreg $0xFFFFFFFF  }
0x2b: {  	[dreg:$0x0] =	wrdreg $0x60  }
0x2c: {  	[dreg:$0x2] =	wrdreg s25  }
0x2d: {  	[dreg:$0x3] =	wrdreg s17  }
0x2e: {  	[dreg:$0x4] =	wrdreg $0x9  }
0x2f: {  	_ =	task.clear_ibuf [dreg:s7], $0x5FFFF;
	_ =	strace $0x90000049  }
0x30: {  	s29 =	simm.s32 $0x9;
	_ =	strace $0x8000004B  }
0x31: {  	_ =	swait.ge [sflag:s29], $0x1  }
0x32: {  	[sflag:s29] =	ssyncadd.s32 $0xFFFFFFFF  }
0x33: {  	_ =	strace $0x9000004B  }
0x34: {  	_ =	sfence  }
0x35: {  	s30 =	sld [smem:$0x0];
	_ =	sdelay $0x2  }
0x36: {  	s31 =	sshll.u32 s1, $0xD;
	s1 =	sshrl.u32 s1, $0x2  }
0x37: {  	s3 =	sand.u32 $0x4000, s31;
	s1 =	sadd.s32 s1, s30  }
0x38: {  	s0 =	sor.u32 s3, s0;
	s1 =	sshll.u32 s1, $0x11  }
0x39: {  	s0 =	sor.u32 s1, s0  }
0x3a: {  	s0 =	sadd.s32 $0x8F2B, s0  }
0x3b: {  	[sflag:s0] =	ssyncadd.remote.s32 $0x1  }
0x3c: {  	_ =	sfence.sel $0xFFFF  }
0x3d: {  	[dreg:$0x0] =	wrdreg $0xFFFFFFFF;
	(pc) =	sbr.abs _section_cstart, $3  }
0x3e: {  	[dreg:$0x1] =	wrdreg $0xFFFFFFFF  }
0x3f: {  	_ =	task.clear_ibuf [dreg:s7], $0x2FFFF;
	_ =	strace $0x9FFFFFFF  }
0x40: {  	(tm) =	ssettm $0x7FFFFFFF  }
0x41: {  	_ =	shalt  }
tec
execute0_lowered:
.L_overlay_start_1:
0x0: {  	(tag) =	ssettag $0x1  }
0x1: {  	s0 =	stileid.u32;
	s7 =	rddreg [dreg:$0x0]  }
0x2: {  	s1 =	srdreg.scid;
	s4 =	rddreg [dreg:$0x1]  }
0x3: {  	s31 =	simm.s32 $0x2;
	s17 =	simm.s32 $0x0;
	p0 =	por $0x0, $0x0  }
0x4: {  	s16 =	simm.s32 $0x0;
	s18 =	simm.s32 $0x0;
	s9 =	simm.s32 $0x0  }
0x5: {  	s10 =	simm.s32 $0x0;
	s2 =	sshll.u32 s0, $0x6;
	s1 =	sshll.u32 s1, $0xA  }
0x6: {  	s11 =	simm.s32 $0x0;
	s1 =	sor.u32 s2, s1;
	s2 =	sand.u32 $0x1, s0  }
0x7: {  	s13 =	simm.s32 $0x0;
	s3 =	sand.u32 $0x780, s1;
	s29 =	ssub.s32 $0x2, s2  }
0x8: {  	s15 =	simm.s32 $0x0;
	s5 =	ssub.s32 $0x18680, s3;
	s6 =	sshrl.u32 s29, $0x1  }
.Ltmp0:
0x9: {  	s8 =	sand.u32 $0x1, s29;
	s5 =	sshrl.u32 s5, $0xB;
	(pc) =	sbr.rel .LBB1_1-.Ltmp0, $4  }
0xa: {  	s1 =	rddreg [dreg:$0x2];
	s6 =	sadd.s32 s8, s6;
	s30 =	sadd.s32 $0x1, s5  }
0xb: {  	_ =	strace $0x8000004A;
	s5 =	simm.s32 $0x1;
	s6 =	smul.u32 s6, s30  }
0xc: {  	s7 =	sadd.s32 $0x1200, s7;
	s14 =	smov.u32 s2;
	[sflag:s5] =	ssyncpa.u1 $0x0  }
0xd: {  	s12 =	smov.u32 s3;
	[sflag:s31] =	ssyncpa.u1 $0x0;
	s8 =	sadd.s32 $0x1, s6  }
.LBB1_4:
0xe: {  	s24 =	sshll.u32 s9, $0x7  }
0xf: {  	s25 =	sshll.u32 s10, $0x3;
	s23 =	sshra.s32 s23, $0x2;
	s31 =	sshra.s32 s11, $0x1F  }
0x10: {  	p1 =	sgt.s32 s11, $0x1;
	s26 =	sand.u32 $0xFFFFFC00, s24;
	s25 =	sand.u32 $0xFFFFFC00, s25  }
0x11: {  	s29 =	ssub.s32 $0x0, s10;
	s24 =	sand.u32 $0x380, s24;
	s25 =	sadd.s32 s25, s26  }
0x12: {  	[tilespmem:s21+$0x2040 ss:$0x81] =	vst.msk $0xffff, v4;
	s26 =	smov.u32 s11;
	s24 =	sor.u32 s24, s25;
	s25 =	sand.u32 s31, s11  }
0x13: {  	[tilespmem:s21+$0x2850 ss:$0x81] =	vst.msk $0xffff, v3;
	s26 =	simm.s32 @!p1 $0x1;
	s24 =	sshrl.u32 s24, $0x7;
	s25 =	sxor.u32 $0xFFFFFFFF, s25  }
0x14: {  	v5 =	vld [tilespmem:s20+$0xFFFFFFD0];
	[tilespmem:s21+$0x3060 ss:$0x81] =	vst.msk $0xffff, v2;
	s30 =	sshra.s32 s9, $0x1F;
	s27 =	smulhi.u32 $0x14F8B59, s24;
	s26 =	sadd.s32 s25, s26  }
0x15: {  	v58 =	vld [tilespmem:s20+$0xFFFFFFE0];
	[tilespmem:s21+$0x0 ss:$0x81] =	vst.msk $0xffff, v0;
	s22 =	sadd.s32 s23, s22;
	s21 =	sand.u32 s30, s9;
	p1 =	sgt.s32 s26, $0x0  }
0x16: {  	v59 =	vld [tilespmem:s20+$0xFFFFFFF0];
	s23 =	ssub.s32 $0x1, s26;
	s26 =	smov.u32 s9;
	s28 =	sshrl.u32 s27, $0x9  }
0x17: {  	v60 =	vld [tilespmem:s20+$0x0];
	s23 =	simm.s32 @p1 $0x0;
	p1 =	sgt.s32 s9, $0x18620;
	s27 =	smin.u32 s10, s29  }
0x18: {  	v61 =	vld [tilespmem:s20+$0x10];
	[tilespmem:s22+$0x3870 ss:$0x81] =	vst.msk $0xffff, v1;
	s26 =	simm.s32 @!p1 $0x18620;
	p1 =	sgt.s32 s27, $0x7F;
	s27 =	ssub.s32 $0x80, s27  }
0x19: {  	v62 =	vld [tilespmem:s20+$0x20];
	[tilespmem:s22+$0x810 ss:$0x81] =	vst.msk $0xffff, v5;
	s25 =	smul.u32 $0x186A0, s28;
	s21 =	ssub.s32 s26, s21;
	s27 =	simm.s32 @p1 $0x0  }
0x1a: {  	v63 =	vld [tilespmem:s20+$0xFFFFFFC0];
	[tilespmem:s22+$0x1020 ss:$0x81] =	vst.msk $0xffff, v58;
	s28 =	sshrl.u32 s10, $0x3;
	s31 =	smul.u32 s23, s27;
	s26 =	sadd.s32 $0xFFFE79E0, s21  }
0x1b: {  	[tilespmem:s22+$0x1830 ss:$0x81] =	vst.msk $0xffff, v59;
	s21 =	ssub.s32 $0x186A0, s21;
	s27 =	smul.u32 $0x186A00, s11;
	p1 =	sgt.s32 s26, $0x7F  }
0x1c: {  	[tilespmem:s22+$0x2040 ss:$0x81] =	vst.msk $0xffff, v60;
	s29 =	sand.u32 $0xF, s28;
	s21 =	simm.s32 @p1 $0x0  }
0x1d: {  	[tilespmem:s22+$0x2850 ss:$0x81] =	vst.msk $0xffff, v61;
	s24 =	ssub.s32 s24, s25;
	s23 =	sadd.s32 s4, s27;
	s20 =	smul.u32 s21, s31  }
0x1e: {  	[tilespmem:s22+$0x3060 ss:$0x81] =	vst.msk $0xffff, v62;
	s30 =	sshll.u32 s24, $0x4;
	s21 =	sadd.s32 s29, s23  }
0x1f: {  	[tilespmem:s22+$0x0 ss:$0x81] =	vst.msk $0xffff, v63;
	s31 =	sand.u32 $0x7, s10;
	s21 =	sadd.s32 s30, s21;
	s20 =	sand.u32 $0x3FFFFFFF, s20  }
0x20: {  	[hbm4b:s21+s31] =	stream.linear.scatter [tilespmem:s19], [sflag:$0x2], s20, $0x20;
	[tilespmem:$0x10100] =	vst v63  }
.LBB1_5:
0x21: {  	p1 =	slt.u32 s15, $0x2  }
0x22: {  	p2 =	sgt.s32 @!p1 s18, $0x1;
	s19 =	sshra.s32 @!p1 s18, $0x1F  }
0x23: {  	s20 =	smov.u32 s18;
	p2 =	por !p2, p1;
	s18 =	sand.u32 @!p1 s19, s18  }
0x24: {  	p3 =	sgt.s32 @!p1 s17, $0x18620;
	s20 =	simm.s32 @p2 $0x1;
	s18 =	sxor.u32 @!p1 $0xFFFFFFFF, s18  }
0x25: {  	s19 =	sshra.s32 @!p1 s17, $0x1F;
	p3 =	por !p3, p1;
	s18 =	sadd.s32 @!p1 s18, s20  }
0x26: {  	s20 =	smov.u32 s17;
	s17 =	sand.u32 @!p1 s19, s17;
	s19 =	ssub.s32 @!p1 $0x0, s16  }
0x27: {  	p2 =	sgt.s32 @!p1 s18, $0x0;
	s18 =	ssub.s32 @!p1 $0x1, s18;
	s20 =	simm.s32 @p3 $0x18620  }
0x28: {  	s16 =	smin.u32 @!p1 s16, s19;
	p2 =	por !p2, p1;
	s17 =	ssub.s32 @!p1 s20, s17  }
0x29: {  	s20 =	smov.u32 s13;
	s18 =	simm.s32 @!p2 $0x0;
	p2 =	sgt.s32 @!p1 s16, $0x7F  }
0x2a: {  	s19 =	sadd.s32 @!p1 $0xFFFE79E0, s17;
	s16 =	ssub.s32 @!p1 $0x80, s16;
	p2 =	por !p2, p1  }
0x2b: {  	s17 =	ssub.s32 @!p1 $0x186A0, s17;
	p3 =	sgt.s32 @!p1 s19, $0x7F;
	s16 =	simm.s32 @!p2 $0x0  }
0x2c: {  	s19 =	sadd.s32 $0x800, s12;
	p2 =	por !p3, p1;
	s16 =	smul.u32 @!p1 s18, s16  }
0x2d: {  	s17 =	simm.s32 @!p2 $0x0;
	p2 =	sgt.s32 s19, $0x1869F;
	s18 =	sadd.s32 $0x80, s13  }
0x2e: {  	s21 =	smov.u32 s14;
	s20 =	smov.u32 @p2 s18  }
0x2f: {  	s16 =	smul.u32 @!p1 s17, s16;
	p3 =	sgt.s32 s20, $0x7F;
	s17 =	sadd.s32 $0x2, s14  }
0x30: {  	p0 =	por !p0, !p0;
	s22 =	simm.s32 @!p1 $0x2;
	s21 =	smov.u32 @p3 s17  }
0x31: {  	s19 =	smov.u32 @p2 s3;
	s18 =	smov.u32 s11;
	p2 =	sgt.s32 s21, $0x1  }
0x32: {  	s11 =	smov.u32 s14;
	s21 =	smov.u32 @p2 s2;
	p2 =	sne.s32 s15, s8  }
.Ltmp1:
0x33: {  	s20 =	simm.s32 @p3 $0x0;
	s17 =	smov.u32 s9;
	(pc) =	sbr.rel @!p2 .LBB1_6-.Ltmp1, $4  }
0x34: {  	s9 =	smov.u32 s12;
	s12 =	smov.u32 s19;
	s16 =	sand.u32 @!p1 $0x3FFFFFFF, s16  }
0x35: {  	_ =	swait.ge @!p1 [sflag:s22], s16;
	s23 =	ssub.s32 @!p1 $0x0, s16;
	s16 =	smov.u32 s10  }
0x36: {  	s15 =	sadd.s32 $0x1, s15;
	s10 =	smov.u32 s13;
	[sflag:s22] =	ssyncset.done @!p1 $0x0  }
0x37: {  	s13 =	smov.u32 s20;
	s14 =	smov.u32 s21;
	[sflag:s22] =	ssyncadd.s32 @!p1 s23  }
.LBB1_1:
0x38: {  	p1 =	sge.u32 s15, s6  }
0x39: {  	s19 =	sshrl.u32 @!p1 s13, $0x3  }
0x3a: {  	s20 =	sshll.u32 @!p1 s12, $0x3;
	s19 =	smul.u32 @!p1 $0xC3800, s19  }
0x3b: {  	s21 =	sshll.u32 @!p1 s13, $0x7;
	s20 =	sand.u32 @!p1 $0xFFFFFC00, s20  }
0x3c: {  	s19 =	sadd.s32 @!p1 s19, s20;
	s20 =	sand.u32 @!p1 $0x380, s21  }
0x3d: {  	s21 =	sand.u32 @!p1 $0x7F, s12;
	s19 =	sor.u32 @!p1 s20, s19  }
0x3e: {  	s20 =	sor.u32 @!p1 s21, s19  }
0x3f: {  	s21 =	smulhi.u32 @!p1 $0xA79C7B17, s20  }
0x40: {  	s19 =	smulhi.u32 @!p1 $0xA79C7B17, s19  }
0x41: {  	s21 =	sshrl.u32 @!p1 s21, $0x10  }
0x42: {  	s31 =	sadd.s32 $0xFFFFFFFF, s15;
	s19 =	sshrl.u32 @!p1 s19, $0x10;
	s21 =	smul.u32 @!p1 $0x18700, s21  }
0x43: {  	s22 =	sxor.u32 @!p1 $0xFFFFFFFF, s15;
	s23 =	smul.u32 @!p1 $0x187000, s14;
	s19 =	sand.u32 @!p1 $0x7F, s19  }
0x44: {  	s22 =	sshll.u32 @!p1 s22, $0xE;
	s19 =	smul.u32 @!p1 $0x30E0, s19;
	s20 =	ssub.s32 @!p1 s20, s21  }
0x45: {  	s21 =	sand.u32 @!p1 $0x4000, s22;
	s22 =	sadd.s32 @!p1 s7, s23;
	s23 =	sand.u32 @!p1 $0x7, s20  }
0x46: {  	s20 =	sshrl.u32 @!p1 s20, $0x3;
	s19 =	sadd.s32 @!p1 s19, s22;
	s22 =	sshll.u32 @!p1 s23, $0x12  }
0x47: {  	s19 =	sadd.s32 @!p1 s20, s19;
	s20 =	sor.u32 @!p1 $0x400, s22;
	s22 =	simm.s32 @!p1 $0xC3800  }
0x48: {  	[tilespmem:s21], [sflag:$0x1] =	stream.strided.gather @!p1 [hbm4b:s19+s20], $0x4000, s22, s20, $0x38;
	[tilespmem:$0x10100] =	vst v63  }
0x49: {  	p1 =	sge.u32 s31, s6  }
.Ltmp2:
0x4a: {  	_ = 	snop;
	(pc) =	sbr.rel @p1 .LBB1_5-.Ltmp2, $1  }
0x4b: {  	_ =	sdelay $0x3  }
0x4c: {  	s19 =	simm.s32 $0x1  }
0x4d: {  	_ =	swait.ge [sflag:s5], $0x4000;
	s19 =	simm.s32 @!p0 $0x0  }
0x4e: {  	[sflag:s5] =	ssyncset.done $0x0;
	s20 =	sshll.u32 s19, $0xE  }
0x4f: {  	[sflag:s5] =	ssyncadd.s32 $0xFFFFC000;
	s20 =	sor.u32 $0x40, s20  }
0x50: {  	s19 =	smul.u32 $0x10200, s19;
	v0 =	vld [tilespmem:s20+$0x30]  }
0x51: {  	v1 =	vld [tilespmem:s20+$0xFFFFFFD0]  }
0x52: {  	s19 =	sshrl.u32 s19, $0x2;
	v5 =	vld [tilespmem:s20+$0xFFFFFFE0]  }
0x53: {  	v6 =	vld [tilespmem:s20+$0xFFFFFFF0];
	s22 =	sor.u32 $0x8000, s19  }
0x54: {  	s31 =	sand.u32 $0x1, s15;
	v4 =	vld [tilespmem:s20+$0x0];
	s21 =	sadd.s32 $0x0, s22  }
0x55: {  	v3 =	vld [tilespmem:s20+$0x10];
	s19 =	smul.u32 $0x10200, s31;
	[tilespmem:s21+$0x3870 ss:$0x81] =	vst.msk $0xffff, v0  }
0x56: {  	v2 =	vld [tilespmem:s20+$0x20];
	[tilespmem:s21+$0x810 ss:$0x81] =	vst.msk $0xffff, v1  }
0x57: {  	s19 =	sshrl.u32 s19, $0x2;
	v0 =	vld [tilespmem:s20+$0xFFFFFFC0];
	[tilespmem:s21+$0x1020 ss:$0x81] =	vst.msk $0xffff, v5;
	s20 =	sadd.s32 $0x80, s20  }
0x58: {  	s23 =	simm.s32 $0x4;
	s24 =	simm.s32 $0x8;
	s19 =	sor.u32 $0x8000, s19;
	[tilespmem:s21+$0x1830 ss:$0x81] =	vst.msk $0xffff, v6;
	v1 =	vld [tilespmem:s20+$0x30]  }
.LBB1_3:
0x59: {  	p1 =	sne.s32 s24, $0x1FC;
	v5 =	vld [tilespmem:s20+$0xFFFFFFD0];
	[tilespmem:s21+$0x2040 ss:$0x81] =	vst.msk $0xffff, v4  }
0x5a: {  	v6 =	vld [tilespmem:s20+$0xFFFFFFE0];
	[tilespmem:s21+$0x2850 ss:$0x81] =	vst.msk $0xffff, v3  }
0x5b: {  	s25 =	sshra.s32 s23, $0x2;
	s23 =	smov.u32 s24;
	v7 =	vld [tilespmem:s20+$0xFFFFFFF0];
	[tilespmem:s21+$0x3060 ss:$0x81] =	vst.msk $0xffff, v2  }
.Ltmp3:
0x5c: {  	v4 =	vld [tilespmem:s20+$0x0];
	[tilespmem:s21+$0x0 ss:$0x81] =	vst.msk $0xffff, v0;
	s21 =	sadd.s32 s25, s22;
	(pc) =	sbr.rel @p1 .LBB1_3-.Ltmp3, $4  }
0x5d: {  	v3 =	vld [tilespmem:s20+$0x10];
	[tilespmem:s21+$0x3870 ss:$0x81] =	vst.msk $0xffff, v1  }
0x5e: {  	[tilespmem:s21+$0x810 ss:$0x81] =	vst.msk $0xffff, v5;
	v2 =	vld [tilespmem:s20+$0x20]  }
0x5f: {  	v0 =	vld [tilespmem:s20+$0xFFFFFFC0];
	[tilespmem:s21+$0x1020 ss:$0x81] =	vst.msk $0xffff, v6;
	s20 =	sadd.s32 $0x80, s20  }
0x60: {  	s24 =	sadd.s32 $0x4, s24;
	v1 =	vld [tilespmem:s20+$0x30];
	[tilespmem:s21+$0x1830 ss:$0x81] =	vst.msk $0xffff, v7  }
.Ltmp4:
0x61: {  	_ = 	snop;
	(pc) =	sbr.rel .LBB1_4-.Ltmp4, $1  }
0x62: {  	_ =	sdelay $0x3  }
.LBB1_6:
0x63: {  	_ =	sfence.sel $0x180000  }
0x64: {  	s2 =	simm.s32 $0x1;
	[bflag:$0x0] =	sbarrier.arrive $0xFFFF  }
0x65: {  	s31 =	simm.s32 $0x2;
	[sflag:s2] =	ssyncpa.u1 $0x1  }
0x66: {  	[sflag:s31] =	ssyncpa.u1 $0x1  }
0x67: {  	p0 =	sne.s32 s0, $0x0;
	_ =	strace $0x9000004A  }
0x68: {  	s0 =	sadd.s32 @!p0 $0x100000, s1;
	[bflag:$0x2] =	sbarrier.arrive $0xFFFF  }
0x69: {  	[sflag:s0] =	ssyncadd.tile.s32 @!p0 $0x1;
	_ =	shalt  }
.Lfunc_end1:
_tile_overlayer_lowered:
.L_overlay_start_2:
0x6a: {  	(tag) =	ssettag $0x2  }
0x6b: {  	s0 =	rddreg [dreg:$0x0];
	s2 =	stileid.u32  }
0x6c: {  	s1 =	rddreg [dreg:$0x1];
	p0 =	sne.s32 s2, $0x0  }
0x6d: {  	s3 =	rddreg [dreg:$0x2];
	[bflag:$0x3] =	sbarrier.arrive $0xFFFF;
	s2 =	simm.s32 @!p0 $0x1C01  }
0x6e: {  	[timem:s3], [sflag:s2] =	dma.local @!p0 [hbm:s0], s1  }
0x6f: {  	s0 =	simm.s32 @!p0 $0x1  }
0x70: {  	_ =	swait.ge @!p0 [sflag:s0], s1  }
0x71: {  	s1 =	ssub.s32 @!p0 $0x0, s1;
	[sflag:s0] =	ssyncset.done @!p0 $0x0  }
0x72: {  	[sflag:s0] =	ssyncadd.s32 @!p0 s1  }
0x73: {  	[bflag:$0x3] =	sbarrier.arrive $0xFFFF  }
0x74: {  	_ =	shalt  }

</sc_bundles>
